<compile_context>
chip_gen: v7x
topology: tpu7x:2x2x1
jax: 0.10.2.dev20260603
libtpu: 0.0.44.dev20260713+nightly
codegen_flags: <defaults>
</compile_context>

<pallas_src>
import functools

import numpy as np
import jax
import jax.numpy as jnp
from jax import lax
from jax.experimental import pallas as pl
from jax.experimental.pallas import tpu as pltpu
from jax.experimental.pallas import tpu_sc as plsc

_N = 8192
_K = 32
_PED = 64
_HALF = _PED // 2
_RB = 128
_NBLK = _N // _RB
_CN = _N // 128
_TMAX = _CN
_PRB = 256
_PNB = _N // _PRB
_NW = 32
_BPW = _N * _K // _NW



def _topk_body(pt_ref, pb_ref, idx_ref, d_ref, pv_ref, pi_ref):
    b = pl.program_id(0)
    pt = pt_ref[...]
    pb = pb_ref[...]
    sqc = ((pt[0:1, :] * pt[0:1, :] + pt[2:3, :] * pt[2:3, :])
           + pt[1:2, :] * pt[1:2, :])
    sqr = ((pb[:, 0:1] * pb[:, 0:1] + pb[:, 2:3] * pb[:, 2:3])
           + pb[:, 1:2] * pb[:, 1:2])
    dot = lax.dot_general(pb[:, 0:3], pt[0:3, :], (((1,), (0,)), ((), ())),
                          preferred_element_type=jnp.float32)
    d = sqr + sqc - 2.0 * dot
    row = lax.broadcasted_iota(jnp.int32, (_RB, _N), 0)
    col = lax.broadcasted_iota(jnp.int32, (_RB, _N), 1)
    d_ref[...] = jnp.where(col == row + b * _RB, jnp.inf, d)

    lane = lax.broadcasted_iota(jnp.int32, (_RB, 128), 1)

    def w_cond(state):
        t, done, _ = state
        return jnp.logical_and(t < _TMAX, jnp.logical_not(done))

    def w_body(state):
        t, _, _ = state
        accv = d_ref[:, 0:128]
        acci = jnp.zeros((_RB, 128), jnp.int32)
        for c in range(1, _CN):
            v = d_ref[:, c * 128:(c + 1) * 128]
            lt = v < accv
            accv = jnp.where(lt, v, accv)
            acci = jnp.where(lt, c, acci)
        pv_ref[pl.ds(t, 1)] = accv[None]
        pi_ref[pl.ds(t, 1)] = (acci * 128 + lane)[None]
        for c in range(_CN):
            sl = pl.ds(c * 128, 128)
            d_ref[:, sl] = jnp.where(acci == c, jnp.inf, d_ref[:, sl])
        gmin = jnp.min(accv, axis=1, keepdims=True)

        def cnt_body(tt, cv):
            return cv + (pv_ref[tt] < gmin).astype(jnp.int32)

        cntv = lax.fori_loop(0, t + 1, cnt_body,
                             jnp.zeros((_RB, 128), jnp.int32))
        cnt = jnp.sum(cntv, axis=1)
        done = jnp.all(cnt >= _K)
        return t + 1, done, gmin

    t_f, _, tau = lax.while_loop(
        w_cond, w_body,
        (jnp.int32(0), jnp.bool_(False), jnp.zeros((_RB, 1), jnp.float32)))

    def cl_body(tt, cv):
        return cv + (pv_ref[tt] < tau).astype(jnp.int32)

    cl = lax.fori_loop(0, t_f, cl_body, jnp.zeros((_RB, 128), jnp.int32))
    dmax = jnp.max(cl)

    kio = lax.broadcasted_iota(jnp.int32, (_RB, _K), 1)
    big = jnp.float32(jnp.inf)

    def eg_body(j, carry):
        ptr, out = carry

        def fr_body(tt, st):
            fv, fi = st
            sel = ptr == tt
            fv = jnp.where(sel, pv_ref[tt], fv)
            fi = jnp.where(sel, pi_ref[tt], fi)
            return fv, fi

        fv, fi = lax.fori_loop(
            0, dmax, fr_body,
            (jnp.full((_RB, 128), big), jnp.full((_RB, 128), _N, jnp.int32)))
        m = jnp.min(fv, axis=1, keepdims=True)
        amin = jnp.min(jnp.where(fv == m, fi, _N), axis=1, keepdims=True)
        winner = jnp.logical_and(fv == m, fi == amin)
        ptr = ptr + winner.astype(jnp.int32)
        return ptr, jnp.where(kio == j, amin, out)

    _, out = lax.fori_loop(
        0, _K, eg_body,
        (jnp.zeros((_RB, 128), jnp.int32), jnp.zeros((_RB, _K), jnp.int32)))
    idx_ref[...] = out


def _topk_call(ppad):
    return pl.pallas_call(
        _topk_body,
        grid=(_NBLK,),
        in_specs=[
            pl.BlockSpec((8, _N), lambda b: (0, 0)),
            pl.BlockSpec((_RB, 8), lambda b: (b, 0)),
        ],
        out_specs=pl.BlockSpec((_RB, _K), lambda b: (b, 0)),
        out_shape=jax.ShapeDtypeStruct((_N, _K), jnp.int32),
        scratch_shapes=[
            pltpu.VMEM((_RB, _N), jnp.float32),
            pltpu.VMEM((_TMAX, _RB, 128), jnp.float32),
            pltpu.VMEM((_TMAX, _RB, 128), jnp.int32),
        ],
    )(ppad.T, ppad)



def _gather_sc(posx, posy, posz, idx_flat):
    mesh = plsc.VectorSubcoreMesh(core_axis_name="c", subcore_axis_name="s")

    @functools.partial(
        pl.kernel,
        mesh=mesh,
        out_type=[
            jax.ShapeDtypeStruct((_N * _K,), jnp.float32),
            jax.ShapeDtypeStruct((_N * _K,), jnp.float32),
            jax.ShapeDtypeStruct((_N * _K,), jnp.float32),
        ],
        scratch_types=[
            pltpu.VMEM((_N,), jnp.float32),
            pltpu.VMEM((_N,), jnp.float32),
            pltpu.VMEM((_N,), jnp.float32),
            pltpu.VMEM((_BPW,), jnp.int32),
            pltpu.VMEM((_BPW,), jnp.float32),
            pltpu.VMEM((_BPW,), jnp.float32),
            pltpu.VMEM((_BPW,), jnp.float32),
        ],
        compiler_params=pltpu.CompilerParams(needs_layout_passes=False),
    )
    def gk(px_hbm, py_hbm, pz_hbm, idx_hbm, outx_hbm, outy_hbm, outz_hbm,
           px, py, pz, iv, ox, oy, oz):
        wid = lax.axis_index("s") * 2 + lax.axis_index("c")
        base = wid * _BPW
        pltpu.sync_copy(px_hbm, px)
        pltpu.sync_copy(py_hbm, py)
        pltpu.sync_copy(pz_hbm, pz)
        pltpu.sync_copy(idx_hbm.at[pl.ds(base, _BPW)], iv)

        def body(i, _):
            sl = pl.ds(i * 16, 16)
            ids = iv[sl]
            ox[sl] = plsc.load_gather(px, [ids])
            oy[sl] = plsc.load_gather(py, [ids])
            oz[sl] = plsc.load_gather(pz, [ids])
            return 0

        lax.fori_loop(0, _BPW // 16, body, 0)
        pltpu.sync_copy(ox, outx_hbm.at[pl.ds(base, _BPW)])
        pltpu.sync_copy(oy, outy_hbm.at[pl.ds(base, _BPW)])
        pltpu.sync_copy(oz, outz_hbm.at[pl.ds(base, _BPW)])

    return gk(posx, posy, posz, idx_flat)



_COSC = (0.9999999922841865, -0.49999991770727115, 0.04166652433616236,
         -0.0013887970263142778, 2.4773420792168106e-05,
         -2.7113337540407567e-07, 1.7368995131050724e-09)


def _cosp(x):
    n = jnp.floor(x * jnp.float32(1.0 / (2.0 * np.pi)) + jnp.float32(0.5))
    r = x - n * jnp.float32(2.0 * np.pi)
    r2 = r * r
    acc = jnp.full_like(x, _COSC[6])
    for c in (_COSC[5], _COSC[4], _COSC[3], _COSC[2], _COSC[1], _COSC[0]):
        acc = acc * r2 + jnp.float32(c)
    return acc


def _post_body(pb_ref, rot_ref, nx_ref, ny_ref, nz_ref,
               emb_ref, np_ref, nd_ref):
    pos = pb_ref[...]
    rot = rot_ref[...]

    relx = nx_ref[...] - pos[:, 0:1]
    rely = ny_ref[...] - pos[:, 1:2]
    relz = nz_ref[...] - pos[:, 2:3]
    lx = rot[:, 0:1] * relx + rot[:, 3:4] * rely + rot[:, 6:7] * relz
    ly = rot[:, 1:2] * relx + rot[:, 4:5] * rely + rot[:, 7:8] * relz
    lz = rot[:, 2:3] * relx + rot[:, 5:6] * rely + rot[:, 8:9] * relz
    np_ref[...] = jnp.stack([lx, ly, lz], axis=0)

    norm = jnp.sqrt(lx * lx + ly * ly + lz * lz)

    half = jnp.float32(np.pi / 2)
    logf = jnp.float32(-np.log(10000.0) / _HALF)

    colp = lax.broadcasted_iota(jnp.int32, (1, _K * _PED), 1)
    jmod = colp % _PED
    fcol = jnp.exp(logf * (jmod % _HALF).astype(jnp.float32))
    rowk = lax.broadcasted_iota(jnp.int32, (_K, _K * _PED), 0)
    colk = lax.broadcasted_iota(jnp.int32, (_K, _K * _PED), 1) // _PED
    bmat = jnp.where(rowk == colk, fcol, 0.0)
    argsd = lax.dot_general(norm, bmat, (((1,), (0,)), ((), ())),
                            preferred_element_type=jnp.float32)
    shift = jnp.where(jmod < _HALF, half, 0.0)
    nd_ref[...] = _cosp(argsd - shift)

    cole = lax.broadcasted_iota(jnp.int32, (1, 3 * _PED), 1)
    jme = cole % _PED
    fe = jnp.exp(logf * (jme % _HALF).astype(jnp.float32))
    rowc = lax.broadcasted_iota(jnp.int32, (8, 3 * _PED), 0)
    colc = lax.broadcasted_iota(jnp.int32, (8, 3 * _PED), 1) // _PED
    emat = jnp.where(rowc == colc, fe, 0.0)
    argse = lax.dot_general(pos, emat, (((1,), (0,)), ((), ())),
                            preferred_element_type=jnp.float32)
    shifte = jnp.where(jme < _HALF, half, 0.0)
    emb_ref[...] = _cosp(argse - shifte)


def _post_call(ppad, rot9, nx, ny, nz):
    return pl.pallas_call(
        _post_body,
        grid=(_PNB,),
        in_specs=[
            pl.BlockSpec((_PRB, 8), lambda b: (b, 0)),
            pl.BlockSpec((_PRB, 9), lambda b: (b, 0)),
            pl.BlockSpec((_PRB, _K), lambda b: (b, 0)),
            pl.BlockSpec((_PRB, _K), lambda b: (b, 0)),
            pl.BlockSpec((_PRB, _K), lambda b: (b, 0)),
        ],
        out_specs=[
            pl.BlockSpec((_PRB, 3 * _PED), lambda b: (b, 0)),
            pl.BlockSpec((3, _PRB, _K), lambda b: (0, b, 0)),
            pl.BlockSpec((_PRB, _K * _PED), lambda b: (b, 0)),
        ],
        out_shape=[
            jax.ShapeDtypeStruct((_N, 3 * _PED), jnp.float32),
            jax.ShapeDtypeStruct((3, _N, _K), jnp.float32),
            jax.ShapeDtypeStruct((_N, _K * _PED), jnp.float32),
        ],
    )(ppad, rot9, nx, ny, nz)



def kernel(affines):
    n = affines.shape[0]
    positions = affines[:, :3, 3]
    rot9 = affines[:, :3, :3].reshape(n, 9)
    ppad = jnp.concatenate(
        [positions, jnp.zeros((n, 5), jnp.float32)], axis=1)

    edge_index = _topk_call(ppad)

    gx, gy, gz = _gather_sc(positions[:, 0], positions[:, 1],
                            positions[:, 2], edge_index.reshape(-1))
    nx = gx.reshape(n, _K)
    ny = gy.reshape(n, _K)
    nz = gz.reshape(n, _K)

    pos3d_emb, np3, nd2 = _post_call(
        ppad, rot9, nx, ny, nz)
    neighbour_positions = jnp.transpose(np3, (1, 2, 0))
    neighbour_distances = nd2.reshape(n, _K, _PED)

    full_edge_index = jnp.stack(
        [edge_index.reshape(-1), jnp.repeat(jnp.arange(n), _K)], axis=0)
    return (pos3d_emb, positions, neighbour_positions, neighbour_distances,
            edge_index, full_edge_index)

# --- scband reference (transcript-rebuilt; emitter-appended) ---
"""Pipeline reference for scband-back-bone-distance-embedding-32736240730463 (READ-ONLY COPY).

The authoritative reference and input builder live on the scoring server;
editing this copy changes nothing except your own understanding.
"""

import jax, jax.numpy as jnp
import numpy as np

NUM_N = 32
PED = 64
N = 8192


def sinusoidal_encoding(x, dim):
    # standard sinusoidal positional encoding applied elementwise to continuous values
    half = dim // 2
    freqs = jnp.exp(-np.log(10000.0) * jnp.arange(half, dtype=jnp.float32) / half)
    args = x[..., None] * freqs
    return jnp.concatenate([jnp.sin(args), jnp.cos(args)], axis=-1)


def setup_inputs(seed: int = 0) -> dict:
    key = jax.random.key(seed)
    affines = jax.random.normal(key, (N, 4, 4), dtype=jnp.float32)
    return {"affines": affines}


def reference(affines):
    n = affines.shape[0]
    # get_affine_translation: translation column of the 4x4 rigid transform
    positions = affines[:, :3, 3]
    rot = affines[:, :3, :3]
    # knn_graph(positions, k, loop=False, flow='source_to_target')
    sq = jnp.sum(positions * positions, axis=-1)
    d2 = sq[:, None] + sq[None, :] - 2.0 * (positions @ positions.T)
    d2 = d2.at[jnp.arange(n), jnp.arange(n)].set(jnp.inf)  # loop=False
    _, idx = jax.lax.top_k(-d2, NUM_N)  # [n, k] source (neighbour) indices per target
    full_edge_index = jnp.stack(
        [idx.reshape(-1), jnp.repeat(jnp.arange(n), NUM_N)], axis=0
    )  # row0=sources, row1=targets
    edge_index = idx  # edge_index[0].reshape(n, k)
    # vecs_to_local_affine: express neighbour positions in each node's local frame
    neigh = positions[edge_index]  # gather [n, k, 3]
    rel = neigh - positions[:, None, :]
    neighbour_positions = jnp.einsum('nji,nkj->nki', rot, rel)  # R^T (v - t)
    neighbour_distances = sinusoidal_encoding(
        jnp.linalg.norm(neighbour_positions, axis=-1), PED
    )  # [n, k, ped]
    pos3d_emb = sinusoidal_encoding(positions, PED).reshape(n, -1)  # [n, 3*ped]
    return (pos3d_emb, positions, neighbour_positions, neighbour_distances,
            edge_index, full_edge_index)

if __name__ == "__main__":
    import jax
    _d = setup_inputs()
    print(jax.jit(kernel)(*tuple(_d.values())))

</pallas_src>

<mosaic_0001>
#map = affine_map<(d0, d1) -> (0)>
module attributes {stable_mosaic.version = 14 : i64} {
  func.func @gk(%arg0: i32, %arg1: i32, %arg2: memref<8192xf32, #tpu.memory_space<hbm>>, %arg3: memref<8192xf32, #tpu.memory_space<hbm>>, %arg4: memref<8192xf32, #tpu.memory_space<hbm>>, %arg5: memref<262144xi32, #tpu.memory_space<hbm>>, %arg6: memref<262144xf32, #tpu.memory_space<hbm>>, %arg7: memref<262144xf32, #tpu.memory_space<hbm>>, %arg8: memref<262144xf32, #tpu.memory_space<hbm>>, %arg9: memref<8192xf32, #tpu.memory_space<vmem>>, %arg10: memref<8192xf32, #tpu.memory_space<vmem>>, %arg11: memref<8192xf32, #tpu.memory_space<vmem>>, %arg12: memref<8192xi32, #tpu.memory_space<vmem>>, %arg13: memref<8192xf32, #tpu.memory_space<vmem>>, %arg14: memref<8192xf32, #tpu.memory_space<vmem>>, %arg15: memref<8192xf32, #tpu.memory_space<vmem>>) attributes {dimension_semantics = [#tpu.dimension_semantics<core_parallel>, #tpu.dimension_semantics<subcore_parallel>], iteration_bounds = array<i64: 2, 16>, scalar_prefetch = 0 : i64, scratch_operands = 7 : i64, tpu.core_type = #tpu.core_type<sc_vector_subcore>, window_params = [{transform_indices = #map}, {transform_indices = #map}, {transform_indices = #map}, {transform_indices = #map}, {transform_indices = #map}, {transform_indices = #map}, {transform_indices = #map}]} {
    %mul3A = arith.constant 2 : i32
    %mul3A_0 = arith.muli %arg1, %mul3A : i32
    %add3A = arith.addi %mul3A_0, %arg0 : i32
    %mul3A_1 = arith.constant 8192 : i32
    %mul3A_2 = arith.muli %add3A, %mul3A_1 : i32
    "tpu.region"() ({
      %run_scoped3A = tpu.sem_alloc : memref<!tpu.dma_semaphore, #tpu.memory_space<semaphore_mem>>
      tpu.enqueue_dma source(%arg2 : memref<8192xf32, #tpu.memory_space<hbm>>) target(%arg9 : memref<8192xf32, #tpu.memory_space<vmem>>) target_semaphore(%run_scoped3A : memref<!tpu.dma_semaphore, #tpu.memory_space<semaphore_mem>>)
      tpu.wait_dma2 semaphore(%run_scoped3A : memref<!tpu.dma_semaphore, #tpu.memory_space<semaphore_mem>>) src(%arg2 : memref<8192xf32, #tpu.memory_space<hbm>>) dst(%arg9 : memref<8192xf32, #tpu.memory_space<vmem>>)
      tpu.yield
    }) : () -> ()
    "tpu.region"() ({
      %run_scoped3A = tpu.sem_alloc : memref<!tpu.dma_semaphore, #tpu.memory_space<semaphore_mem>>
      tpu.enqueue_dma source(%arg3 : memref<8192xf32, #tpu.memory_space<hbm>>) target(%arg10 : memref<8192xf32, #tpu.memory_space<vmem>>) target_semaphore(%run_scoped3A : memref<!tpu.dma_semaphore, #tpu.memory_space<semaphore_mem>>)
      tpu.wait_dma2 semaphore(%run_scoped3A : memref<!tpu.dma_semaphore, #tpu.memory_space<semaphore_mem>>) src(%arg3 : memref<8192xf32, #tpu.memory_space<hbm>>) dst(%arg10 : memref<8192xf32, #tpu.memory_space<vmem>>)
      tpu.yield
    }) : () -> ()
    "tpu.region"() ({
      %run_scoped3A = tpu.sem_alloc : memref<!tpu.dma_semaphore, #tpu.memory_space<semaphore_mem>>
      tpu.enqueue_dma source(%arg4 : memref<8192xf32, #tpu.memory_space<hbm>>) target(%arg11 : memref<8192xf32, #tpu.memory_space<vmem>>) target_semaphore(%run_scoped3A : memref<!tpu.dma_semaphore, #tpu.memory_space<semaphore_mem>>)
      tpu.wait_dma2 semaphore(%run_scoped3A : memref<!tpu.dma_semaphore, #tpu.memory_space<semaphore_mem>>) src(%arg4 : memref<8192xf32, #tpu.memory_space<hbm>>) dst(%arg11 : memref<8192xf32, #tpu.memory_space<vmem>>)
      tpu.yield
    }) : () -> ()
    "tpu.region"() ({
      %run_scoped3A = tpu.sem_alloc : memref<!tpu.dma_semaphore, #tpu.memory_space<semaphore_mem>>
      %dma_start3A = tpu.memref_slice %arg5[%mul3A_2] : memref<262144xi32, #tpu.memory_space<hbm>> -> memref<8192xi32, #tpu.memory_space<hbm>>
      %dma_start3A_9 = tpu.memref_slice %arg5[%mul3A_2] : memref<262144xi32, #tpu.memory_space<hbm>> -> memref<8192xi32, #tpu.memory_space<hbm>>
      tpu.enqueue_dma source(%dma_start3A_9 : memref<8192xi32, #tpu.memory_space<hbm>>) target(%arg12 : memref<8192xi32, #tpu.memory_space<vmem>>) target_semaphore(%run_scoped3A : memref<!tpu.dma_semaphore, #tpu.memory_space<semaphore_mem>>)
      %dma_wait3A = tpu.memref_slice %arg5[%mul3A_2] : memref<262144xi32, #tpu.memory_space<hbm>> -> memref<8192xi32, #tpu.memory_space<hbm>>
      %dma_wait3A_10 = tpu.memref_slice %arg5[%mul3A_2] : memref<262144xi32, #tpu.memory_space<hbm>> -> memref<8192xi32, #tpu.memory_space<hbm>>
      tpu.wait_dma2 semaphore(%run_scoped3A : memref<!tpu.dma_semaphore, #tpu.memory_space<semaphore_mem>>) src(%dma_wait3A_10 : memref<8192xi32, #tpu.memory_space<hbm>>) dst(%arg12 : memref<8192xi32, #tpu.memory_space<vmem>>)
      tpu.yield
    }) : () -> ()
    %scan3A = arith.constant 0 : i32
    %scan3A_3 = arith.constant 0 : i32
    %scan3A_4 = arith.constant 512 : i32
    %scan3A_5 = arith.addi %scan3A_3, %scan3A_4 : i32
    %scan3A_6 = arith.constant 1 : i32
    %scan3A_7 = scf.for %scan3A_9 = %scan3A_3 to %scan3A_5 step %scan3A_6 iter_args(%scan3A_10 = %scan3A) -> (i32)  : i32 {
      %mul3A_11 = arith.constant 16 : i32
      %mul3A_12 = arith.muli %scan3A_9, %mul3A_11 : i32
      %get3A = arith.index_cast %mul3A_12 : i32 to index
      %get3A_13 = tpu.vector_load %arg12[%get3A] {strides = array<i32>} : memref<8192xi32, #tpu.memory_space<vmem>>, vector<16xi32>,
      %gather3A = tpu.vector_load_idx %arg9[%get3A_13] : memref<8192xf32, #tpu.memory_space<vmem>>[vector<16xi32>], vector<16xf32>,
      %swap3A = arith.index_cast %mul3A_12 : i32 to index
      %swap3A_14 = tpu.vector_load %arg13[%swap3A] {strides = array<i32>} : memref<8192xf32, #tpu.memory_space<vmem>>, vector<16xf32>,
      tpu.vector_store %arg13[%swap3A], %gather3A {strides = array<i32>} : memref<8192xf32, #tpu.memory_space<vmem>>, vector<16xf32>,
      %gather3A_15 = tpu.vector_load_idx %arg10[%get3A_13] : memref<8192xf32, #tpu.memory_space<vmem>>[vector<16xi32>], vector<16xf32>,
      %swap3A_16 = arith.index_cast %mul3A_12 : i32 to index
      %swap3A_17 = tpu.vector_load %arg14[%swap3A_16] {strides = array<i32>} : memref<8192xf32, #tpu.memory_space<vmem>>, vector<16xf32>,
      tpu.vector_store %arg14[%swap3A_16], %gather3A_15 {strides = array<i32>} : memref<8192xf32, #tpu.memory_space<vmem>>, vector<16xf32>,
      %gather3A_18 = tpu.vector_load_idx %arg11[%get3A_13] : memref<8192xf32, #tpu.memory_space<vmem>>[vector<16xi32>], vector<16xf32>,
      %swap3A_19 = arith.index_cast %mul3A_12 : i32 to index
      %swap3A_20 = tpu.vector_load %arg15[%swap3A_19] {strides = array<i32>} : memref<8192xf32, #tpu.memory_space<vmem>>, vector<16xf32>,
      tpu.vector_store %arg15[%swap3A_19], %gather3A_18 {strides = array<i32>} : memref<8192xf32, #tpu.memory_space<vmem>>, vector<16xf32>,
      %scan3A_21 = arith.constant 0 : i32
      scf.yield %scan3A_21 : i32
    }
    %scan3A_8 = arith.constant 512 : i32
    "tpu.region"() ({
      %run_scoped3A = tpu.sem_alloc : memref<!tpu.dma_semaphore, #tpu.memory_space<semaphore_mem>>
      %dma_start3A = tpu.memref_slice %arg6[%mul3A_2] : memref<262144xf32, #tpu.memory_space<hbm>> -> memref<8192xf32, #tpu.memory_space<hbm>>
      %dma_start3A_9 = tpu.memref_slice %arg6[%mul3A_2] : memref<262144xf32, #tpu.memory_space<hbm>> -> memref<8192xf32, #tpu.memory_space<hbm>>
      tpu.enqueue_dma source(%arg13 : memref<8192xf32, #tpu.memory_space<vmem>>) target(%dma_start3A_9 : memref<8192xf32, #tpu.memory_space<hbm>>) target_semaphore(%run_scoped3A : memref<!tpu.dma_semaphore, #tpu.memory_space<semaphore_mem>>)
      %dma_wait3A = tpu.memref_slice %arg6[%mul3A_2] : memref<262144xf32, #tpu.memory_space<hbm>> -> memref<8192xf32, #tpu.memory_space<hbm>>
      %dma_wait3A_10 = tpu.memref_slice %arg6[%mul3A_2] : memref<262144xf32, #tpu.memory_space<hbm>> -> memref<8192xf32, #tpu.memory_space<hbm>>
      tpu.wait_dma2 semaphore(%run_scoped3A : memref<!tpu.dma_semaphore, #tpu.memory_space<semaphore_mem>>) src(%arg13 : memref<8192xf32, #tpu.memory_space<vmem>>) dst(%dma_wait3A_10 : memref<8192xf32, #tpu.memory_space<hbm>>)
      tpu.yield
    }) : () -> ()
    "tpu.region"() ({
      %run_scoped3A = tpu.sem_alloc : memref<!tpu.dma_semaphore, #tpu.memory_space<semaphore_mem>>
      %dma_start3A = tpu.memref_slice %arg7[%mul3A_2] : memref<262144xf32, #tpu.memory_space<hbm>> -> memref<8192xf32, #tpu.memory_space<hbm>>
      %dma_start3A_9 = tpu.memref_slice %arg7[%mul3A_2] : memref<262144xf32, #tpu.memory_space<hbm>> -> memref<8192xf32, #tpu.memory_space<hbm>>
      tpu.enqueue_dma source(%arg14 : memref<8192xf32, #tpu.memory_space<vmem>>) target(%dma_start3A_9 : memref<8192xf32, #tpu.memory_space<hbm>>) target_semaphore(%run_scoped3A : memref<!tpu.dma_semaphore, #tpu.memory_space<semaphore_mem>>)
      %dma_wait3A = tpu.memref_slice %arg7[%mul3A_2] : memref<262144xf32, #tpu.memory_space<hbm>> -> memref<8192xf32, #tpu.memory_space<hbm>>
      %dma_wait3A_10 = tpu.memref_slice %arg7[%mul3A_2] : memref<262144xf32, #tpu.memory_space<hbm>> -> memref<8192xf32, #tpu.memory_space<hbm>>
      tpu.wait_dma2 semaphore(%run_scoped3A : memref<!tpu.dma_semaphore, #tpu.memory_space<semaphore_mem>>) src(%arg14 : memref<8192xf32, #tpu.memory_space<vmem>>) dst(%dma_wait3A_10 : memref<8192xf32, #tpu.memory_space<hbm>>)
      tpu.yield
    }) : () -> ()
    "tpu.region"() ({
      %run_scoped3A = tpu.sem_alloc : memref<!tpu.dma_semaphore, #tpu.memory_space<semaphore_mem>>
      %dma_start3A = tpu.memref_slice %arg8[%mul3A_2] : memref<262144xf32, #tpu.memory_space<hbm>> -> memref<8192xf32, #tpu.memory_space<hbm>>
      %dma_start3A_9 = tpu.memref_slice %arg8[%mul3A_2] : memref<262144xf32, #tpu.memory_space<hbm>> -> memref<8192xf32, #tpu.memory_space<hbm>>
      tpu.enqueue_dma source(%arg15 : memref<8192xf32, #tpu.memory_space<vmem>>) target(%dma_start3A_9 : memref<8192xf32, #tpu.memory_space<hbm>>) target_semaphore(%run_scoped3A : memref<!tpu.dma_semaphore, #tpu.memory_space<semaphore_mem>>)
      %dma_wait3A = tpu.memref_slice %arg8[%mul3A_2] : memref<262144xf32, #tpu.memory_space<hbm>> -> memref<8192xf32, #tpu.memory_space<hbm>>
      %dma_wait3A_10 = tpu.memref_slice %arg8[%mul3A_2] : memref<262144xf32, #tpu.memory_space<hbm>> -> memref<8192xf32, #tpu.memory_space<hbm>>
      tpu.wait_dma2 semaphore(%run_scoped3A : memref<!tpu.dma_semaphore, #tpu.memory_space<semaphore_mem>>) src(%arg15 : memref<8192xf32, #tpu.memory_space<vmem>>) dst(%dma_wait3A_10 : memref<8192xf32, #tpu.memory_space<hbm>>)
      tpu.yield
    }) : () -> ()
    return
  }
}

module attributes {stable_mosaic.version = 14 : i64} {
  func.func @_topk_body(%arg0: i32, %arg1: memref<8x8192xf32, #tpu.memory_space<vmem>>, %arg2: memref<128x8xf32, #tpu.memory_space<vmem>>, %arg3: memref<128x32xi32, #tpu.memory_space<vmem>>, %arg4: memref<128x8192xf32, #tpu.memory_space<vmem>>, %arg5: memref<64x128x128xf32, #tpu.memory_space<vmem>>, %arg6: memref<64x128x128xi32, #tpu.memory_space<vmem>>) attributes {dimension_semantics = [#tpu.dimension_semantics<arbitrary>], iteration_bounds = array<i64: 64>, scalar_prefetch = 0 : i64, scratch_operands = 3 : i64, tpu.core_type = #tpu.core_type<tc>, window_params = [{pipeline_mode = #tpu.pipeline_mode<synchronous>, transform_indices = @transform_0, window_bounds = array<i64: 8, 8192>}, {transform_indices = @transform_1, window_bounds = array<i64: 128, 8>}, {transform_indices = @transform_2, window_bounds = array<i64: 128, 32>}]} {
    %get3A = arith.constant 0 : index
    %get3A_0 = arith.constant 0 : index
    %get3A_1 = vector.load %arg1[%get3A, %get3A_0] : memref<8x8192xf32, #tpu.memory_space<vmem>>, vector<8x8192xf32>
    %get3A_2 = arith.constant 0 : index
    %get3A_3 = arith.constant 0 : index
    %get3A_4 = vector.load %arg2[%get3A_2, %get3A_3] : memref<128x8xf32, #tpu.memory_space<vmem>>, vector<128x8xf32>
    %slice3A = vector.extract_strided_slice %get3A_1 {offsets = [0, 0], sizes = [1, 8192], strides = [1, 1]} : vector<8x8192xf32> to vector<1x8192xf32>
    %slice3A_5 = vector.extract_strided_slice %get3A_1 {offsets = [0, 0], sizes = [1, 8192], strides = [1, 1]} : vector<8x8192xf32> to vector<1x8192xf32>
    %mul3A = arith.mulf %slice3A, %slice3A_5 : vector<1x8192xf32>
    %slice3A_6 = vector.extract_strided_slice %get3A_1 {offsets = [2, 0], sizes = [1, 8192], strides = [1, 1]} : vector<8x8192xf32> to vector<1x8192xf32>
    %slice3A_7 = vector.extract_strided_slice %get3A_1 {offsets = [2, 0], sizes = [1, 8192], strides = [1, 1]} : vector<8x8192xf32> to vector<1x8192xf32>
    %mul3A_8 = arith.mulf %slice3A_6, %slice3A_7 : vector<1x8192xf32>
    %add3A = arith.addf %mul3A, %mul3A_8 : vector<1x8192xf32>
    %slice3A_9 = vector.extract_strided_slice %get3A_1 {offsets = [1, 0], sizes = [1, 8192], strides = [1, 1]} : vector<8x8192xf32> to vector<1x8192xf32>
    %slice3A_10 = vector.extract_strided_slice %get3A_1 {offsets = [1, 0], sizes = [1, 8192], strides = [1, 1]} : vector<8x8192xf32> to vector<1x8192xf32>
    %mul3A_11 = arith.mulf %slice3A_9, %slice3A_10 : vector<1x8192xf32>
    %add3A_12 = arith.addf %add3A, %mul3A_11 : vector<1x8192xf32>
    %slice3A_13 = vector.extract_strided_slice %get3A_4 {offsets = [0, 0], sizes = [128, 1], strides = [1, 1]} : vector<128x8xf32> to vector<128x1xf32>
    %slice3A_14 = vector.extract_strided_slice %get3A_4 {offsets = [0, 0], sizes = [128, 1], strides = [1, 1]} : vector<128x8xf32> to vector<128x1xf32>
    %mul3A_15 = arith.mulf %slice3A_13, %slice3A_14 : vector<128x1xf32>
    %slice3A_16 = vector.extract_strided_slice %get3A_4 {offsets = [0, 2], sizes = [128, 1], strides = [1, 1]} : vector<128x8xf32> to vector<128x1xf32>
    %slice3A_17 = vector.extract_strided_slice %get3A_4 {offsets = [0, 2], sizes = [128, 1], strides = [1, 1]} : vector<128x8xf32> to vector<128x1xf32>
    %mul3A_18 = arith.mulf %slice3A_16, %slice3A_17 : vector<128x1xf32>
    %add3A_19 = arith.addf %mul3A_15, %mul3A_18 : vector<128x1xf32>
    %slice3A_20 = vector.extract_strided_slice %get3A_4 {offsets = [0, 1], sizes = [128, 1], strides = [1, 1]} : vector<128x8xf32> to vector<128x1xf32>
    %slice3A_21 = vector.extract_strided_slice %get3A_4 {offsets = [0, 1], sizes = [128, 1], strides = [1, 1]} : vector<128x8xf32> to vector<128x1xf32>
    %mul3A_22 = arith.mulf %slice3A_20, %slice3A_21 : vector<128x1xf32>
    %add3A_23 = arith.addf %add3A_19, %mul3A_22 : vector<128x1xf32>
    %slice3A_24 = vector.extract_strided_slice %get3A_4 {offsets = [0, 0], sizes = [128, 3], strides = [1, 1]} : vector<128x8xf32> to vector<128x3xf32>
    %slice3A_25 = vector.extract_strided_slice %get3A_1 {offsets = [0, 0], sizes = [3, 8192], strides = [1, 1]} : vector<8x8192xf32> to vector<3x8192xf32>
    %dot_general3A = arith.constant dense<0.000000e+00> : vector<128x8192xf32>
    %dot_general3A_26 = tpu.matmul %slice3A_24, %slice3A_25, %dot_general3A {dimension_numbers = #tpu.dot_dimension_numbers<[1], [0], [0], [1], [0, 0, 1, 1], [], []>, transpose_lhs_hint = false} : vector<128x3xf32>, vector<3x8192xf32>, vector<128x8192xf32> -> vector<128x8192xf32>
    %add3A_27 = vector.broadcast %add3A_23 : vector<128x1xf32> to vector<128x8192xf32>
    %add3A_28 = vector.broadcast %add3A_12 : vector<1x8192xf32> to vector<128x8192xf32>
    %add3A_29 = arith.addf %add3A_27, %add3A_28 : vector<128x8192xf32>
    %mul3A_30 = arith.constant 2.000000e+00 : f32
    %mul3A_31 = vector.broadcast %mul3A_30 : f32 to vector<128x8192xf32>
    %mul3A_32 = arith.mulf %mul3A_31, %dot_general3A_26 : vector<128x8192xf32>
    %sub3A = arith.subf %add3A_29, %mul3A_32 : vector<128x8192xf32>
    %iota3A = tpu.iota {dimensions = array<i32: 0>} : vector<128x8192xi32>
    %iota3A_33 = tpu.iota {dimensions = array<i32: 1>} : vector<128x8192xi32>
    %mul3A_34 = arith.constant 128 : i32
    %mul3A_35 = arith.muli %arg0, %mul3A_34 : i32
    %add3A_36 = vector.broadcast %mul3A_35 : i32 to vector<128x8192xi32>
    %add3A_37 = arith.addi %iota3A, %add3A_36 : vector<128x8192xi32>
    %eq3A = arith.cmpi eq, %iota3A_33, %add3A_37 : vector<128x8192xi32>
    %jit3A = arith.constant 0x7F800000 : f32
    %broadcast_in_dim3A = vector.broadcast %jit3A : f32 to vector<128x8192xf32>
    %select_n3A = arith.select %eq3A, %broadcast_in_dim3A, %sub3A : vector<128x8192xi1>, vector<128x8192xf32>
    %swap3A = arith.constant 0 : index
    %swap3A_38 = arith.constant 0 : index
    %swap3A_39 = vector.load %arg4[%swap3A, %swap3A_38] : memref<128x8192xf32, #tpu.memory_space<vmem>>, vector<128x8192xf32>
    tpu.vector_store %arg4[%swap3A, %swap3A_38], %select_n3A {strides = array<i32>} : memref<128x8192xf32, #tpu.memory_space<vmem>>, vector<128x8192xf32>,
    %iota3A_40 = tpu.iota {dimensions = array<i32: 1>} : vector<128x128xi32>
    %broadcast_in_dim3A_41 = arith.constant 0.000000e+00 : f32
    %broadcast_in_dim3A_42 = vector.broadcast %broadcast_in_dim3A_41 : f32 to vector<128x1xf32>
    %while3A = arith.constant 0 : i32
    %while3A_43 = arith.constant false
    %while3A_44:3 = scf.while (%while3A_76 = %while3A, %while3A_77 = %while3A_43, %while3A_78 = %broadcast_in_dim3A_42) : (i32, i1, vector<128x1xf32>) -> (i32, i1, vector<128x1xf32>) {
      %lt3A = arith.constant 64 : i32
      %lt3A_79 = arith.cmpi slt, %while3A_76, %lt3A : i32
      %not3A = arith.constant true
      %not3A_80 = arith.xori %while3A_77, %not3A : i1
      %and3A = arith.andi %lt3A_79, %not3A_80 : i1
      scf.condition(%and3A) %while3A_76, %while3A_77, %while3A_78 : i32, i1, vector<128x1xf32>
    } do {
    ^bb0(%while3A_76: i32, %while3A_77: i1, %while3A_78: vector<128x1xf32>):
      %get3A_79 = arith.constant 0 : index
      %get3A_80 = arith.constant 0 : index
      %get3A_81 = vector.load %arg4[%get3A_79, %get3A_80] : memref<128x8192xf32, #tpu.memory_space<vmem>>, vector<128x128xf32>
      %broadcast_in_dim3A_82 = arith.constant 0 : i32
      %broadcast_in_dim3A_83 = vector.broadcast %broadcast_in_dim3A_82 : i32 to vector<128x128xi32>
      %get3A_84 = arith.constant 0 : index
      %get3A_85 = arith.constant 128 : index
      %get3A_86 = vector.load %arg4[%get3A_84, %get3A_85] : memref<128x8192xf32, #tpu.memory_space<vmem>>, vector<128x128xf32>
      %lt3A = arith.cmpf olt, %get3A_86, %get3A_81 : vector<128x128xf32>
      %select_n3A_87 = arith.select %lt3A, %get3A_86, %get3A_81 : vector<128x128xi1>, vector<128x128xf32>
      %jit3A_88 = arith.constant 1 : i32
      %broadcast_in_dim3A_89 = vector.broadcast %jit3A_88 : i32 to vector<128x128xi32>
      %select_n3A_90 = arith.select %lt3A, %broadcast_in_dim3A_89, %broadcast_in_dim3A_83 : vector<128x128xi1>, vector<128x128xi32>
      %get3A_91 = arith.constant 0 : index
      %get3A_92 = arith.constant 256 : index
      %get3A_93 = vector.load %arg4[%get3A_91, %get3A_92] : memref<128x8192xf32, #tpu.memory_space<vmem>>, vector<128x128xf32>
      %lt3A_94 = arith.cmpf olt, %get3A_93, %select_n3A_87 : vector<128x128xf32>
      %select_n3A_95 = arith.select %lt3A_94, %get3A_93, %select_n3A_87 : vector<128x128xi1>, vector<128x128xf32>
      %jit3A_96 = arith.constant 2 : i32
      %broadcast_in_dim3A_97 = vector.broadcast %jit3A_96 : i32 to vector<128x128xi32>
      %select_n3A_98 = arith.select %lt3A_94, %broadcast_in_dim3A_97, %select_n3A_90 : vector<128x128xi1>, vector<128x128xi32>
      %get3A_99 = arith.constant 0 : index
      %get3A_100 = arith.constant 384 : index
      %get3A_101 = vector.load %arg4[%get3A_99, %get3A_100] : memref<128x8192xf32, #tpu.memory_space<vmem>>, vector<128x128xf32>
      %lt3A_102 = arith.cmpf olt, %get3A_101, %select_n3A_95 : vector<128x128xf32>
      %select_n3A_103 = arith.select %lt3A_102, %get3A_101, %select_n3A_95 : vector<128x128xi1>, vector<128x128xf32>
      %jit3A_104 = arith.constant 3 : i32
      %broadcast_in_dim3A_105 = vector.broadcast %jit3A_104 : i32 to vector<128x128xi32>
      %select_n3A_106 = arith.select %lt3A_102, %broadcast_in_dim3A_105, %select_n3A_98 : vector<128x128xi1>, vector<128x128xi32>
      %get3A_107 = arith.constant 0 : index
      %get3A_108 = arith.constant 512 : index
      %get3A_109 = vector.load %arg4[%get3A_107, %get3A_108] : memref<128x8192xf32, #tpu.memory_space<vmem>>, vector<128x128xf32>
      %lt3A_110 = arith.cmpf olt, %get3A_109, %select_n3A_103 : vector<128x128xf32>
      %select_n3A_111 = arith.select %lt3A_110, %get3A_109, %select_n3A_103 : vector<128x128xi1>, vector<128x128xf32>
      %jit3A_112 = arith.constant 4 : i32
      %broadcast_in_dim3A_113 = vector.broadcast %jit3A_112 : i32 to vector<128x128xi32>
      %select_n3A_114 = arith.select %lt3A_110, %broadcast_in_dim3A_113, %select_n3A_106 : vector<128x128xi1>, vector<128x128xi32>
      %get3A_115 = arith.constant 0 : index
      %get3A_116 = arith.constant 640 : index
      %get3A_117 = vector.load %arg4[%get3A_115, %get3A_116] : memref<128x8192xf32, #tpu.memory_space<vmem>>, vector<128x128xf32>
      %lt3A_118 = arith.cmpf olt, %get3A_117, %select_n3A_111 : vector<128x128xf32>
      %select_n3A_119 = arith.select %lt3A_118, %get3A_117, %select_n3A_111 : vector<128x128xi1>, vector<128x128xf32>
      %jit3A_120 = arith.constant 5 : i32
      %broadcast_in_dim3A_121 = vector.broadcast %jit3A_120 : i32 to vector<128x128xi32>
      %select_n3A_122 = arith.select %lt3A_118, %broadcast_in_dim3A_121, %select_n3A_114 : vector<128x128xi1>, vector<128x128xi32>
      %get3A_123 = arith.constant 0 : index
      %get3A_124 = arith.constant 768 : index
      %get3A_125 = vector.load %arg4[%get3A_123, %get3A_124] : memref<128x8192xf32, #tpu.memory_space<vmem>>, vector<128x128xf32>
      %lt3A_126 = arith.cmpf olt, %get3A_125, %select_n3A_119 : vector<128x128xf32>
      %select_n3A_127 = arith.select %lt3A_126, %get3A_125, %select_n3A_119 : vector<128x128xi1>, vector<128x128xf32>
      %jit3A_128 = arith.constant 6 : i32
      %broadcast_in_dim3A_129 = vector.broadcast %jit3A_128 : i32 to vector<128x128xi32>
      %select_n3A_130 = arith.select %lt3A_126, %broadcast_in_dim3A_129, %select_n3A_122 : vector<128x128xi1>, vector<128x128xi32>
      %get3A_131 = arith.constant 0 : index
      %get3A_132 = arith.constant 896 : index
      %get3A_133 = vector.load %arg4[%get3A_131, %get3A_132] : memref<128x8192xf32, #tpu.memory_space<vmem>>, vector<128x128xf32>
      %lt3A_134 = arith.cmpf olt, %get3A_133, %select_n3A_127 : vector<128x128xf32>
      %select_n3A_135 = arith.select %lt3A_134, %get3A_133, %select_n3A_127 : vector<128x128xi1>, vector<128x128xf32>
      %jit3A_136 = arith.constant 7 : i32
      %broadcast_in_dim3A_137 = vector.broadcast %jit3A_136 : i32 to vector<128x128xi32>
      %select_n3A_138 = arith.select %lt3A_134, %broadcast_in_dim3A_137, %select_n3A_130 : vector<128x128xi1>, vector<128x128xi32>
      %get3A_139 = arith.constant 0 : index
      %get3A_140 = arith.constant 1024 : index
      %get3A_141 = vector.load %arg4[%get3A_139, %get3A_140] : memref<128x8192xf32, #tpu.memory_space<vmem>>, vector<128x128xf32>
      %lt3A_142 = arith.cmpf olt, %get3A_141, %select_n3A_135 : vector<128x128xf32>
      %select_n3A_143 = arith.select %lt3A_142, %get3A_141, %select_n3A_135 : vector<128x128xi1>, vector<128x128xf32>
      %jit3A_144 = arith.constant 8 : i32
      %broadcast_in_dim3A_145 = vector.broadcast %jit3A_144 : i32 to vector<128x128xi32>
      %select_n3A_146 = arith.select %lt3A_142, %broadcast_in_dim3A_145, %select_n3A_138 : vector<128x128xi1>, vector<128x128xi32>
      %get3A_147 = arith.constant 0 : index
      %get3A_148 = arith.constant 1152 : index
      %get3A_149 = vector.load %arg4[%get3A_147, %get3A_148] : memref<128x8192xf32, #tpu.memory_space<vmem>>, vector<128x128xf32>
      %lt3A_150 = arith.cmpf olt, %get3A_149, %select_n3A_143 : vector<128x128xf32>
      %select_n3A_151 = arith.select %lt3A_150, %get3A_149, %select_n3A_143 : vector<128x128xi1>, vector<128x128xf32>
      %jit3A_152 = arith.constant 9 : i32
      %broadcast_in_dim3A_153 = vector.broadcast %jit3A_152 : i32 to vector<128x128xi32>
      %select_n3A_154 = arith.select %lt3A_150, %broadcast_in_dim3A_153, %select_n3A_146 : vector<128x128xi1>, vector<128x128xi32>
      %get3A_155 = arith.constant 0 : index
      %get3A_156 = arith.constant 1280 : index
      %get3A_157 = vector.load %arg4[%get3A_155, %get3A_156] : memref<128x8192xf32, #tpu.memory_space<vmem>>, vector<128x128xf32>
      %lt3A_158 = arith.cmpf olt, %get3A_157, %select_n3A_151 : vector<128x128xf32>
      %select_n3A_159 = arith.select %lt3A_158, %get3A_157, %select_n3A_151 : vector<128x128xi1>, vector<128x128xf32>
      %jit3A_160 = arith.constant 10 : i32
      %broadcast_in_dim3A_161 = vector.broadcast %jit3A_160 : i32 to vector<128x128xi32>
      %select_n3A_162 = arith.select %lt3A_158, %broadcast_in_dim3A_161, %select_n3A_154 : vector<128x128xi1>, vector<128x128xi32>
      %get3A_163 = arith.constant 0 : index
      %get3A_164 = arith.constant 1408 : index
      %get3A_165 = vector.load %arg4[%get3A_163, %get3A_164] : memref<128x8192xf32, #tpu.memory_space<vmem>>, vector<128x128xf32>
      %lt3A_166 = arith.cmpf olt, %get3A_165, %select_n3A_159 : vector<128x128xf32>
      %select_n3A_167 = arith.select %lt3A_166, %get3A_165, %select_n3A_159 : vector<128x128xi1>, vector<128x128xf32>
      %jit3A_168 = arith.constant 11 : i32
      %broadcast_in_dim3A_169 = vector.broadcast %jit3A_168 : i32 to vector<128x128xi32>
      %select_n3A_170 = arith.select %lt3A_166, %broadcast_in_dim3A_169, %select_n3A_162 : vector<128x128xi1>, vector<128x128xi32>
      %get3A_171 = arith.constant 0 : index
      %get3A_172 = arith.constant 1536 : index
      %get3A_173 = vector.load %arg4[%get3A_171, %get3A_172] : memref<128x8192xf32, #tpu.memory_space<vmem>>, vector<128x128xf32>
      %lt3A_174 = arith.cmpf olt, %get3A_173, %select_n3A_167 : vector<128x128xf32>
      %select_n3A_175 = arith.select %lt3A_174, %get3A_173, %select_n3A_167 : vector<128x128xi1>, vector<128x128xf32>
      %jit3A_176 = arith.constant 12 : i32
      %broadcast_in_dim3A_177 = vector.broadcast %jit3A_176 : i32 to vector<128x128xi32>
      %select_n3A_178 = arith.select %lt3A_174, %broadcast_in_dim3A_177, %select_n3A_170 : vector<128x128xi1>, vector<128x128xi32>
      %get3A_179 = arith.constant 0 : index
      %get3A_180 = arith.constant 1664 : index
      %get3A_181 = vector.load %arg4[%get3A_179, %get3A_180] : memref<128x8192xf32, #tpu.memory_space<vmem>>, vector<128x128xf32>
      %lt3A_182 = arith.cmpf olt, %get3A_181, %select_n3A_175 : vector<128x128xf32>
      %select_n3A_183 = arith.select %lt3A_182, %get3A_181, %select_n3A_175 : vector<128x128xi1>, vector<128x128xf32>
      %jit3A_184 = arith.constant 13 : i32
      %broadcast_in_dim3A_185 = vector.broadcast %jit3A_184 : i32 to vector<128x128xi32>
      %select_n3A_186 = arith.select %lt3A_182, %broadcast_in_dim3A_185, %select_n3A_178 : vector<128x128xi1>, vector<128x128xi32>
      %get3A_187 = arith.constant 0 : index
      %get3A_188 = arith.constant 1792 : index
      %get3A_189 = vector.load %arg4[%get3A_187, %get3A_188] : memref<128x8192xf32, #tpu.memory_space<vmem>>, vector<128x128xf32>
      %lt3A_190 = arith.cmpf olt, %get3A_189, %select_n3A_183 : vector<128x128xf32>
      %select_n3A_191 = arith.select %lt3A_190, %get3A_189, %select_n3A_183 : vector<128x128xi1>, vector<128x128xf32>
      %jit3A_192 = arith.constant 14 : i32
      %broadcast_in_dim3A_193 = vector.broadcast %jit3A_192 : i32 to vector<128x128xi32>
      %select_n3A_194 = arith.select %lt3A_190, %broadcast_in_dim3A_193, %select_n3A_186 : vector<128x128xi1>, vector<128x128xi32>
      %get3A_195 = arith.constant 0 : index
      %get3A_196 = arith.constant 1920 : index
      %get3A_197 = vector.load %arg4[%get3A_195, %get3A_196] : memref<128x8192xf32, #tpu.memory_space<vmem>>, vector<128x128xf32>
      %lt3A_198 = arith.cmpf olt, %get3A_197, %select_n3A_191 : vector<128x128xf32>
      %select_n3A_199 = arith.select %lt3A_198, %get3A_197, %select_n3A_191 : vector<128x128xi1>, vector<128x128xf32>
      %jit3A_200 = arith.constant 15 : i32
      %broadcast_in_dim3A_201 = vector.broadcast %jit3A_200 : i32 to vector<128x128xi32>
      %select_n3A_202 = arith.select %lt3A_198, %broadcast_in_dim3A_201, %select_n3A_194 : vector<128x128xi1>, vector<128x128xi32>
      %get3A_203 = arith.constant 0 : index
      %get3A_204 = arith.constant 2048 : index
      %get3A_205 = vector.load %arg4[%get3A_203, %get3A_204] : memref<128x8192xf32, #tpu.memory_space<vmem>>, vector<128x128xf32>
      %lt3A_206 = arith.cmpf olt, %get3A_205, %select_n3A_199 : vector<128x128xf32>
      %select_n3A_207 = arith.select %lt3A_206, %get3A_205, %select_n3A_199 : vector<128x128xi1>, vector<128x128xf32>
      %jit3A_208 = arith.constant 16 : i32
      %broadcast_in_dim3A_209 = vector.broadcast %jit3A_208 : i32 to vector<128x128xi32>
      %select_n3A_210 = arith.select %lt3A_206, %broadcast_in_dim3A_209, %select_n3A_202 : vector<128x128xi1>, vector<128x128xi32>
      %get3A_211 = arith.constant 0 : index
      %get3A_212 = arith.constant 2176 : index
      %get3A_213 = vector.load %arg4[%get3A_211, %get3A_212] : memref<128x8192xf32, #tpu.memory_space<vmem>>, vector<128x128xf32>
      %lt3A_214 = arith.cmpf olt, %get3A_213, %select_n3A_207 : vector<128x128xf32>
      %select_n3A_215 = arith.select %lt3A_214, %get3A_213, %select_n3A_207 : vector<128x128xi1>, vector<128x128xf32>
      %jit3A_216 = arith.constant 17 : i32
      %broadcast_in_dim3A_217 = vector.broadcast %jit3A_216 : i32 to vector<128x128xi32>
      %select_n3A_218 = arith.select %lt3A_214, %broadcast_in_dim3A_217, %select_n3A_210 : vector<128x128xi1>, vector<128x128xi32>
      %get3A_219 = arith.constant 0 : index
      %get3A_220 = arith.constant 2304 : index
      %get3A_221 = vector.load %arg4[%get3A_219, %get3A_220] : memref<128x8192xf32, #tpu.memory_space<vmem>>, vector<128x128xf32>
      %lt3A_222 = arith.cmpf olt, %get3A_221, %select_n3A_215 : vector<128x128xf32>
      %select_n3A_223 = arith.select %lt3A_222, %get3A_221, %select_n3A_215 : vector<128x128xi1>, vector<128x128xf32>
      %jit3A_224 = arith.constant 18 : i32
      %broadcast_in_dim3A_225 = vector.broadcast %jit3A_224 : i32 to vector<128x128xi32>
      %select_n3A_226 = arith.select %lt3A_222, %broadcast_in_dim3A_225, %select_n3A_218 : vector<128x128xi1>, vector<128x128xi32>
      %get3A_227 = arith.constant 0 : index
      %get3A_228 = arith.constant 2432 : index
      %get3A_229 = vector.load %arg4[%get3A_227, %get3A_228] : memref<128x8192xf32, #tpu.memory_space<vmem>>, vector<128x128xf32>
      %lt3A_230 = arith.cmpf olt, %get3A_229, %select_n3A_223 : vector<128x128xf32>
      %select_n3A_231 = arith.select %lt3A_230, %get3A_229, %select_n3A_223 : vector<128x128xi1>, vector<128x128xf32>
      %jit3A_232 = arith.constant 19 : i32
      %broadcast_in_dim3A_233 = vector.broadcast %jit3A_232 : i32 to vector<128x128xi32>
      %select_n3A_234 = arith.select %lt3A_230, %broadcast_in_dim3A_233, %select_n3A_226 : vector<128x128xi1>, vector<128x128xi32>
      %get3A_235 = arith.constant 0 : index
      %get3A_236 = arith.constant 2560 : index
      %get3A_237 = vector.load %arg4[%get3A_235, %get3A_236] : memref<128x8192xf32, #tpu.memory_space<vmem>>, vector<128x128xf32>
      %lt3A_238 = arith.cmpf olt, %get3A_237, %select_n3A_231 : vector<128x128xf32>
      %select_n3A_239 = arith.select %lt3A_238, %get3A_237, %select_n3A_231 : vector<128x128xi1>, vector<128x128xf32>
      %jit3A_240 = arith.constant 20 : i32
      %broadcast_in_dim3A_241 = vector.broadcast %jit3A_240 : i32 to vector<128x128xi32>
      %select_n3A_242 = arith.select %lt3A_238, %broadcast_in_dim3A_241, %select_n3A_234 : vector<128x128xi1>, vector<128x128xi32>
      %get3A_243 = arith.constant 0 : index
      %get3A_244 = arith.constant 2688 : index
      %get3A_245 = vector.load %arg4[%get3A_243, %get3A_244] : memref<128x8192xf32, #tpu.memory_space<vmem>>, vector<128x128xf32>
      %lt3A_246 = arith.cmpf olt, %get3A_245, %select_n3A_239 : vector<128x128xf32>
      %select_n3A_247 = arith.select %lt3A_246, %get3A_245, %select_n3A_239 : vector<128x128xi1>, vector<128x128xf32>
      %jit3A_248 = arith.constant 21 : i32
      %broadcast_in_dim3A_249 = vector.broadcast %jit3A_248 : i32 to vector<128x128xi32>
      %select_n3A_250 = arith.select %lt3A_246, %broadcast_in_dim3A_249, %select_n3A_242 : vector<128x128xi1>, vector<128x128xi32>
      %get3A_251 = arith.constant 0 : index
      %get3A_252 = arith.constant 2816 : index
      %get3A_253 = vector.load %arg4[%get3A_251, %get3A_252] : memref<128x8192xf32, #tpu.memory_space<vmem>>, vector<128x128xf32>
      %lt3A_254 = arith.cmpf olt, %get3A_253, %select_n3A_247 : vector<128x128xf32>
      %select_n3A_255 = arith.select %lt3A_254, %get3A_253, %select_n3A_247 : vector<128x128xi1>, vector<128x128xf32>
      %jit3A_256 = arith.constant 22 : i32
      %broadcast_in_dim3A_257 = vector.broadcast %jit3A_256 : i32 to vector<128x128xi32>
      %select_n3A_258 = arith.select %lt3A_254, %broadcast_in_dim3A_257, %select_n3A_250 : vector<128x128xi1>, vector<128x128xi32>
      %get3A_259 = arith.constant 0 : index
      %get3A_260 = arith.constant 2944 : index
      %get3A_261 = vector.load %arg4[%get3A_259, %get3A_260] : memref<128x8192xf32, #tpu.memory_space<vmem>>, vector<128x128xf32>
      %lt3A_262 = arith.cmpf olt, %get3A_261, %select_n3A_255 : vector<128x128xf32>
      %select_n3A_263 = arith.select %lt3A_262, %get3A_261, %select_n3A_255 : vector<128x128xi1>, vector<128x128xf32>
      %jit3A_264 = arith.constant 23 : i32
      %broadcast_in_dim3A_265 = vector.broadcast %jit3A_264 : i32 to vector<128x128xi32>
      %select_n3A_266 = arith.select %lt3A_262, %broadcast_in_dim3A_265, %select_n3A_258 : vector<128x128xi1>, vector<128x128xi32>
      %get3A_267 = arith.constant 0 : index
      %get3A_268 = arith.constant 3072 : index
      %get3A_269 = vector.load %arg4[%get3A_267, %get3A_268] : memref<128x8192xf32, #tpu.memory_space<vmem>>, vector<128x128xf32>
      %lt3A_270 = arith.cmpf olt, %get3A_269, %select_n3A_263 : vector<128x128xf32>
      %select_n3A_271 = arith.select %lt3A_270, %get3A_269, %select_n3A_263 : vector<128x128xi1>, vector<128x128xf32>
      %jit3A_272 = arith.constant 24 : i32
      %broadcast_in_dim3A_273 = vector.broadcast %jit3A_272 : i32 to vector<128x128xi32>
      %select_n3A_274 = arith.select %lt3A_270, %broadcast_in_dim3A_273, %select_n3A_266 : vector<128x128xi1>, vector<128x128xi32>
      %get3A_275 = arith.constant 0 : index
      %get3A_276 = arith.constant 3200 : index
      %get3A_277 = vector.load %arg4[%get3A_275, %get3A_276] : memref<128x8192xf32, #tpu.memory_space<vmem>>, vector<128x128xf32>
      %lt3A_278 = arith.cmpf olt, %get3A_277, %select_n3A_271 : vector<128x128xf32>
      %select_n3A_279 = arith.select %lt3A_278, %get3A_277, %select_n3A_271 : vector<128x128xi1>, vector<128x128xf32>
      %jit3A_280 = arith.constant 25 : i32
      %broadcast_in_dim3A_281 = vector.broadcast %jit3A_280 : i32 to vector<128x128xi32>
      %select_n3A_282 = arith.select %lt3A_278, %broadcast_in_dim3A_281, %select_n3A_274 : vector<128x128xi1>, vector<128x128xi32>
      %get3A_283 = arith.constant 0 : index
      %get3A_284 = arith.constant 3328 : index
      %get3A_285 = vector.load %arg4[%get3A_283, %get3A_284] : memref<128x8192xf32, #tpu.memory_space<vmem>>, vector<128x128xf32>
      %lt3A_286 = arith.cmpf olt, %get3A_285, %select_n3A_279 : vector<128x128xf32>
      %select_n3A_287 = arith.select %lt3A_286, %get3A_285, %select_n3A_279 : vector<128x128xi1>, vector<128x128xf32>
      %jit3A_288 = arith.constant 26 : i32
      %broadcast_in_dim3A_289 = vector.broadcast %jit3A_288 : i32 to vector<128x128xi32>
      %select_n3A_290 = arith.select %lt3A_286, %broadcast_in_dim3A_289, %select_n3A_282 : vector<128x128xi1>, vector<128x128xi32>
      %get3A_291 = arith.constant 0 : index
      %get3A_292 = arith.constant 3456 : index
      %get3A_293 = vector.load %arg4[%get3A_291, %get3A_292] : memref<128x8192xf32, #tpu.memory_space<vmem>>, vector<128x128xf32>
      %lt3A_294 = arith.cmpf olt, %get3A_293, %select_n3A_287 : vector<128x128xf32>
      %select_n3A_295 = arith.select %lt3A_294, %get3A_293, %select_n3A_287 : vector<128x128xi1>, vector<128x128xf32>
      %jit3A_296 = arith.constant 27 : i32
      %broadcast_in_dim3A_297 = vector.broadcast %jit3A_296 : i32 to vector<128x128xi32>
      %select_n3A_298 = arith.select %lt3A_294, %broadcast_in_dim3A_297, %select_n3A_290 : vector<128x128xi1>, vector<128x128xi32>
      %get3A_299 = arith.constant 0 : index
      %get3A_300 = arith.constant 3584 : index
      %get3A_301 = vector.load %arg4[%get3A_299, %get3A_300] : memref<128x8192xf32, #tpu.memory_space<vmem>>, vector<128x128xf32>
      %lt3A_302 = arith.cmpf olt, %get3A_301, %select_n3A_295 : vector<128x128xf32>
      %select_n3A_303 = arith.select %lt3A_302, %get3A_301, %select_n3A_295 : vector<128x128xi1>, vector<128x128xf32>
      %jit3A_304 = arith.constant 28 : i32
      %broadcast_in_dim3A_305 = vector.broadcast %jit3A_304 : i32 to vector<128x128xi32>
      %select_n3A_306 = arith.select %lt3A_302, %broadcast_in_dim3A_305, %select_n3A_298 : vector<128x128xi1>, vector<128x128xi32>
      %get3A_307 = arith.constant 0 : index
      %get3A_308 = arith.constant 3712 : index
      %get3A_309 = vector.load %arg4[%get3A_307, %get3A_308] : memref<128x8192xf32, #tpu.memory_space<vmem>>, vector<128x128xf32>
      %lt3A_310 = arith.cmpf olt, %get3A_309, %select_n3A_303 : vector<128x128xf32>
      %select_n3A_311 = arith.select %lt3A_310, %get3A_309, %select_n3A_303 : vector<128x128xi1>, vector<128x128xf32>
      %jit3A_312 = arith.constant 29 : i32
      %broadcast_in_dim3A_313 = vector.broadcast %jit3A_312 : i32 to vector<128x128xi32>
      %select_n3A_314 = arith.select %lt3A_310, %broadcast_in_dim3A_313, %select_n3A_306 : vector<128x128xi1>, vector<128x128xi32>
      %get3A_315 = arith.constant 0 : index
      %get3A_316 = arith.constant 3840 : index
      %get3A_317 = vector.load %arg4[%get3A_315, %get3A_316] : memref<128x8192xf32, #tpu.memory_space<vmem>>, vector<128x128xf32>
      %lt3A_318 = arith.cmpf olt, %get3A_317, %select_n3A_311 : vector<128x128xf32>
      %select_n3A_319 = arith.select %lt3A_318, %get3A_317, %select_n3A_311 : vector<128x128xi1>, vector<128x128xf32>
      %jit3A_320 = arith.constant 30 : i32
      %broadcast_in_dim3A_321 = vector.broadcast %jit3A_320 : i32 to vector<128x128xi32>
      %select_n3A_322 = arith.select %lt3A_318, %broadcast_in_dim3A_321, %select_n3A_314 : vector<128x128xi1>, vector<128x128xi32>
      %get3A_323 = arith.constant 0 : index
      %get3A_324 = arith.constant 3968 : index
      %get3A_325 = vector.load %arg4[%get3A_323, %get3A_324] : memref<128x8192xf32, #tpu.memory_space<vmem>>, vector<128x128xf32>
      %lt3A_326 = arith.cmpf olt, %get3A_325, %select_n3A_319 : vector<128x128xf32>
      %select_n3A_327 = arith.select %lt3A_326, %get3A_325, %select_n3A_319 : vector<128x128xi1>, vector<128x128xf32>
      %jit3A_328 = arith.constant 31 : i32
      %broadcast_in_dim3A_329 = vector.broadcast %jit3A_328 : i32 to vector<128x128xi32>
      %select_n3A_330 = arith.select %lt3A_326, %broadcast_in_dim3A_329, %select_n3A_322 : vector<128x128xi1>, vector<128x128xi32>
      %get3A_331 = arith.constant 0 : index
      %get3A_332 = arith.constant 4096 : index
      %get3A_333 = vector.load %arg4[%get3A_331, %get3A_332] : memref<128x8192xf32, #tpu.memory_space<vmem>>, vector<128x128xf32>
      %lt3A_334 = arith.cmpf olt, %get3A_333, %select_n3A_327 : vector<128x128xf32>
      %select_n3A_335 = arith.select %lt3A_334, %get3A_333, %select_n3A_327 : vector<128x128xi1>, vector<128x128xf32>
      %jit3A_336 = arith.constant 32 : i32
      %broadcast_in_dim3A_337 = vector.broadcast %jit3A_336 : i32 to vector<128x128xi32>
      %select_n3A_338 = arith.select %lt3A_334, %broadcast_in_dim3A_337, %select_n3A_330 : vector<128x128xi1>, vector<128x128xi32>
      %get3A_339 = arith.constant 0 : index
      %get3A_340 = arith.constant 4224 : index
      %get3A_341 = vector.load %arg4[%get3A_339, %get3A_340] : memref<128x8192xf32, #tpu.memory_space<vmem>>, vector<128x128xf32>
      %lt3A_342 = arith.cmpf olt, %get3A_341, %select_n3A_335 : vector<128x128xf32>
      %select_n3A_343 = arith.select %lt3A_342, %get3A_341, %select_n3A_335 : vector<128x128xi1>, vector<128x128xf32>
      %jit3A_344 = arith.constant 33 : i32
      %broadcast_in_dim3A_345 = vector.broadcast %jit3A_344 : i32 to vector<128x128xi32>
      %select_n3A_346 = arith.select %lt3A_342, %broadcast_in_dim3A_345, %select_n3A_338 : vector<128x128xi1>, vector<128x128xi32>
      %get3A_347 = arith.constant 0 : index
      %get3A_348 = arith.constant 4352 : index
      %get3A_349 = vector.load %arg4[%get3A_347, %get3A_348] : memref<128x8192xf32, #tpu.memory_space<vmem>>, vector<128x128xf32>
      %lt3A_350 = arith.cmpf olt, %get3A_349, %select_n3A_343 : vector<128x128xf32>
      %select_n3A_351 = arith.select %lt3A_350, %get3A_349, %select_n3A_343 : vector<128x128xi1>, vector<128x128xf32>
      %jit3A_352 = arith.constant 34 : i32
      %broadcast_in_dim3A_353 = vector.broadcast %jit3A_352 : i32 to vector<128x128xi32>
      %select_n3A_354 = arith.select %lt3A_350, %broadcast_in_dim3A_353, %select_n3A_346 : vector<128x128xi1>, vector<128x128xi32>
      %get3A_355 = arith.constant 0 : index
      %get3A_356 = arith.constant 4480 : index
      %get3A_357 = vector.load %arg4[%get3A_355, %get3A_356] : memref<128x8192xf32, #tpu.memory_space<vmem>>, vector<128x128xf32>
      %lt3A_358 = arith.cmpf olt, %get3A_357, %select_n3A_351 : vector<128x128xf32>
      %select_n3A_359 = arith.select %lt3A_358, %get3A_357, %select_n3A_351 : vector<128x128xi1>, vector<128x128xf32>
      %jit3A_360 = arith.constant 35 : i32
      %broadcast_in_dim3A_361 = vector.broadcast %jit3A_360 : i32 to vector<128x128xi32>
      %select_n3A_362 = arith.select %lt3A_358, %broadcast_in_dim3A_361, %select_n3A_354 : vector<128x128xi1>, vector<128x128xi32>
      %get3A_363 = arith.constant 0 : index
      %get3A_364 = arith.constant 4608 : index
      %get3A_365 = vector.load %arg4[%get3A_363, %get3A_364] : memref<128x8192xf32, #tpu.memory_space<vmem>>, vector<128x128xf32>
      %lt3A_366 = arith.cmpf olt, %get3A_365, %select_n3A_359 : vector<128x128xf32>
      %select_n3A_367 = arith.select %lt3A_366, %get3A_365, %select_n3A_359 : vector<128x128xi1>, vector<128x128xf32>
      %jit3A_368 = arith.constant 36 : i32
      %broadcast_in_dim3A_369 = vector.broadcast %jit3A_368 : i32 to vector<128x128xi32>
      %select_n3A_370 = arith.select %lt3A_366, %broadcast_in_dim3A_369, %select_n3A_362 : vector<128x128xi1>, vector<128x128xi32>
      %get3A_371 = arith.constant 0 : index
      %get3A_372 = arith.constant 4736 : index
      %get3A_373 = vector.load %arg4[%get3A_371, %get3A_372] : memref<128x8192xf32, #tpu.memory_space<vmem>>, vector<128x128xf32>
      %lt3A_374 = arith.cmpf olt, %get3A_373, %select_n3A_367 : vector<128x128xf32>
      %select_n3A_375 = arith.select %lt3A_374, %get3A_373, %select_n3A_367 : vector<128x128xi1>, vector<128x128xf32>
      %jit3A_376 = arith.constant 37 : i32
      %broadcast_in_dim3A_377 = vector.broadcast %jit3A_376 : i32 to vector<128x128xi32>
      %select_n3A_378 = arith.select %lt3A_374, %broadcast_in_dim3A_377, %select_n3A_370 : vector<128x128xi1>, vector<128x128xi32>
      %get3A_379 = arith.constant 0 : index
      %get3A_380 = arith.constant 4864 : index
      %get3A_381 = vector.load %arg4[%get3A_379, %get3A_380] : memref<128x8192xf32, #tpu.memory_space<vmem>>, vector<128x128xf32>
      %lt3A_382 = arith.cmpf olt, %get3A_381, %select_n3A_375 : vector<128x128xf32>
      %select_n3A_383 = arith.select %lt3A_382, %get3A_381, %select_n3A_375 : vector<128x128xi1>, vector<128x128xf32>
      %jit3A_384 = arith.constant 38 : i32
      %broadcast_in_dim3A_385 = vector.broadcast %jit3A_384 : i32 to vector<128x128xi32>
      %select_n3A_386 = arith.select %lt3A_382, %broadcast_in_dim3A_385, %select_n3A_378 : vector<128x128xi1>, vector<128x128xi32>
      %get3A_387 = arith.constant 0 : index
      %get3A_388 = arith.constant 4992 : index
      %get3A_389 = vector.load %arg4[%get3A_387, %get3A_388] : memref<128x8192xf32, #tpu.memory_space<vmem>>, vector<128x128xf32>
      %lt3A_390 = arith.cmpf olt, %get3A_389, %select_n3A_383 : vector<128x128xf32>
      %select_n3A_391 = arith.select %lt3A_390, %get3A_389, %select_n3A_383 : vector<128x128xi1>, vector<128x128xf32>
      %jit3A_392 = arith.constant 39 : i32
      %broadcast_in_dim3A_393 = vector.broadcast %jit3A_392 : i32 to vector<128x128xi32>
      %select_n3A_394 = arith.select %lt3A_390, %broadcast_in_dim3A_393, %select_n3A_386 : vector<128x128xi1>, vector<128x128xi32>
      %get3A_395 = arith.constant 0 : index
      %get3A_396 = arith.constant 5120 : index
      %get3A_397 = vector.load %arg4[%get3A_395, %get3A_396] : memref<128x8192xf32, #tpu.memory_space<vmem>>, vector<128x128xf32>
      %lt3A_398 = arith.cmpf olt, %get3A_397, %select_n3A_391 : vector<128x128xf32>
      %select_n3A_399 = arith.select %lt3A_398, %get3A_397, %select_n3A_391 : vector<128x128xi1>, vector<128x128xf32>
      %jit3A_400 = arith.constant 40 : i32
      %broadcast_in_dim3A_401 = vector.broadcast %jit3A_400 : i32 to vector<128x128xi32>
      %select_n3A_402 = arith.select %lt3A_398, %broadcast_in_dim3A_401, %select_n3A_394 : vector<128x128xi1>, vector<128x128xi32>
      %get3A_403 = arith.constant 0 : index
      %get3A_404 = arith.constant 5248 : index
      %get3A_405 = vector.load %arg4[%get3A_403, %get3A_404] : memref<128x8192xf32, #tpu.memory_space<vmem>>, vector<128x128xf32>
      %lt3A_406 = arith.cmpf olt, %get3A_405, %select_n3A_399 : vector<128x128xf32>
      %select_n3A_407 = arith.select %lt3A_406, %get3A_405, %select_n3A_399 : vector<128x128xi1>, vector<128x128xf32>
      %jit3A_408 = arith.constant 41 : i32
      %broadcast_in_dim3A_409 = vector.broadcast %jit3A_408 : i32 to vector<128x128xi32>
      %select_n3A_410 = arith.select %lt3A_406, %broadcast_in_dim3A_409, %select_n3A_402 : vector<128x128xi1>, vector<128x128xi32>
      %get3A_411 = arith.constant 0 : index
      %get3A_412 = arith.constant 5376 : index
      %get3A_413 = vector.load %arg4[%get3A_411, %get3A_412] : memref<128x8192xf32, #tpu.memory_space<vmem>>, vector<128x128xf32>
      %lt3A_414 = arith.cmpf olt, %get3A_413, %select_n3A_407 : vector<128x128xf32>
      %select_n3A_415 = arith.select %lt3A_414, %get3A_413, %select_n3A_407 : vector<128x128xi1>, vector<128x128xf32>
      %jit3A_416 = arith.constant 42 : i32
      %broadcast_in_dim3A_417 = vector.broadcast %jit3A_416 : i32 to vector<128x128xi32>
      %select_n3A_418 = arith.select %lt3A_414, %broadcast_in_dim3A_417, %select_n3A_410 : vector<128x128xi1>, vector<128x128xi32>
      %get3A_419 = arith.constant 0 : index
      %get3A_420 = arith.constant 5504 : index
      %get3A_421 = vector.load %arg4[%get3A_419, %get3A_420] : memref<128x8192xf32, #tpu.memory_space<vmem>>, vector<128x128xf32>
      %lt3A_422 = arith.cmpf olt, %get3A_421, %select_n3A_415 : vector<128x128xf32>
      %select_n3A_423 = arith.select %lt3A_422, %get3A_421, %select_n3A_415 : vector<128x128xi1>, vector<128x128xf32>
      %jit3A_424 = arith.constant 43 : i32
      %broadcast_in_dim3A_425 = vector.broadcast %jit3A_424 : i32 to vector<128x128xi32>
      %select_n3A_426 = arith.select %lt3A_422, %broadcast_in_dim3A_425, %select_n3A_418 : vector<128x128xi1>, vector<128x128xi32>
      %get3A_427 = arith.constant 0 : index
      %get3A_428 = arith.constant 5632 : index
      %get3A_429 = vector.load %arg4[%get3A_427, %get3A_428] : memref<128x8192xf32, #tpu.memory_space<vmem>>, vector<128x128xf32>
      %lt3A_430 = arith.cmpf olt, %get3A_429, %select_n3A_423 : vector<128x128xf32>
      %select_n3A_431 = arith.select %lt3A_430, %get3A_429, %select_n3A_423 : vector<128x128xi1>, vector<128x128xf32>
      %jit3A_432 = arith.constant 44 : i32
      %broadcast_in_dim3A_433 = vector.broadcast %jit3A_432 : i32 to vector<128x128xi32>
      %select_n3A_434 = arith.select %lt3A_430, %broadcast_in_dim3A_433, %select_n3A_426 : vector<128x128xi1>, vector<128x128xi32>
      %get3A_435 = arith.constant 0 : index
      %get3A_436 = arith.constant 5760 : index
      %get3A_437 = vector.load %arg4[%get3A_435, %get3A_436] : memref<128x8192xf32, #tpu.memory_space<vmem>>, vector<128x128xf32>
      %lt3A_438 = arith.cmpf olt, %get3A_437, %select_n3A_431 : vector<128x128xf32>
      %select_n3A_439 = arith.select %lt3A_438, %get3A_437, %select_n3A_431 : vector<128x128xi1>, vector<128x128xf32>
      %jit3A_440 = arith.constant 45 : i32
      %broadcast_in_dim3A_441 = vector.broadcast %jit3A_440 : i32 to vector<128x128xi32>
      %select_n3A_442 = arith.select %lt3A_438, %broadcast_in_dim3A_441, %select_n3A_434 : vector<128x128xi1>, vector<128x128xi32>
      %get3A_443 = arith.constant 0 : index
      %get3A_444 = arith.constant 5888 : index
      %get3A_445 = vector.load %arg4[%get3A_443, %get3A_444] : memref<128x8192xf32, #tpu.memory_space<vmem>>, vector<128x128xf32>
      %lt3A_446 = arith.cmpf olt, %get3A_445, %select_n3A_439 : vector<128x128xf32>
      %select_n3A_447 = arith.select %lt3A_446, %get3A_445, %select_n3A_439 : vector<128x128xi1>, vector<128x128xf32>
      %jit3A_448 = arith.constant 46 : i32
      %broadcast_in_dim3A_449 = vector.broadcast %jit3A_448 : i32 to vector<128x128xi32>
      %select_n3A_450 = arith.select %lt3A_446, %broadcast_in_dim3A_449, %select_n3A_442 : vector<128x128xi1>, vector<128x128xi32>
      %get3A_451 = arith.constant 0 : index
      %get3A_452 = arith.constant 6016 : index
      %get3A_453 = vector.load %arg4[%get3A_451, %get3A_452] : memref<128x8192xf32, #tpu.memory_space<vmem>>, vector<128x128xf32>
      %lt3A_454 = arith.cmpf olt, %get3A_453, %select_n3A_447 : vector<128x128xf32>
      %select_n3A_455 = arith.select %lt3A_454, %get3A_453, %select_n3A_447 : vector<128x128xi1>, vector<128x128xf32>
      %jit3A_456 = arith.constant 47 : i32
      %broadcast_in_dim3A_457 = vector.broadcast %jit3A_456 : i32 to vector<128x128xi32>
      %select_n3A_458 = arith.select %lt3A_454, %broadcast_in_dim3A_457, %select_n3A_450 : vector<128x128xi1>, vector<128x128xi32>
      %get3A_459 = arith.constant 0 : index
      %get3A_460 = arith.constant 6144 : index
      %get3A_461 = vector.load %arg4[%get3A_459, %get3A_460] : memref<128x8192xf32, #tpu.memory_space<vmem>>, vector<128x128xf32>
      %lt3A_462 = arith.cmpf olt, %get3A_461, %select_n3A_455 : vector<128x128xf32>
      %select_n3A_463 = arith.select %lt3A_462, %get3A_461, %select_n3A_455 : vector<128x128xi1>, vector<128x128xf32>
      %jit3A_464 = arith.constant 48 : i32
      %broadcast_in_dim3A_465 = vector.broadcast %jit3A_464 : i32 to vector<128x128xi32>
      %select_n3A_466 = arith.select %lt3A_462, %broadcast_in_dim3A_465, %select_n3A_458 : vector<128x128xi1>, vector<128x128xi32>
      %get3A_467 = arith.constant 0 : index
      %get3A_468 = arith.constant 6272 : index
      %get3A_469 = vector.load %arg4[%get3A_467, %get3A_468] : memref<128x8192xf32, #tpu.memory_space<vmem>>, vector<128x128xf32>
      %lt3A_470 = arith.cmpf olt, %get3A_469, %select_n3A_463 : vector<128x128xf32>
      %select_n3A_471 = arith.select %lt3A_470, %get3A_469, %select_n3A_463 : vector<128x128xi1>, vector<128x128xf32>
      %jit3A_472 = arith.constant 49 : i32
      %broadcast_in_dim3A_473 = vector.broadcast %jit3A_472 : i32 to vector<128x128xi32>
      %select_n3A_474 = arith.select %lt3A_470, %broadcast_in_dim3A_473, %select_n3A_466 : vector<128x128xi1>, vector<128x128xi32>
      %get3A_475 = arith.constant 0 : index
      %get3A_476 = arith.constant 6400 : index
      %get3A_477 = vector.load %arg4[%get3A_475, %get3A_476] : memref<128x8192xf32, #tpu.memory_space<vmem>>, vector<128x128xf32>
      %lt3A_478 = arith.cmpf olt, %get3A_477, %select_n3A_471 : vector<128x128xf32>
      %select_n3A_479 = arith.select %lt3A_478, %get3A_477, %select_n3A_471 : vector<128x128xi1>, vector<128x128xf32>
      %jit3A_480 = arith.constant 50 : i32
      %broadcast_in_dim3A_481 = vector.broadcast %jit3A_480 : i32 to vector<128x128xi32>
      %select_n3A_482 = arith.select %lt3A_478, %broadcast_in_dim3A_481, %select_n3A_474 : vector<128x128xi1>, vector<128x128xi32>
      %get3A_483 = arith.constant 0 : index
      %get3A_484 = arith.constant 6528 : index
      %get3A_485 = vector.load %arg4[%get3A_483, %get3A_484] : memref<128x8192xf32, #tpu.memory_space<vmem>>, vector<128x128xf32>
      %lt3A_486 = arith.cmpf olt, %get3A_485, %select_n3A_479 : vector<128x128xf32>
      %select_n3A_487 = arith.select %lt3A_486, %get3A_485, %select_n3A_479 : vector<128x128xi1>, vector<128x128xf32>
      %jit3A_488 = arith.constant 51 : i32
      %broadcast_in_dim3A_489 = vector.broadcast %jit3A_488 : i32 to vector<128x128xi32>
      %select_n3A_490 = arith.select %lt3A_486, %broadcast_in_dim3A_489, %select_n3A_482 : vector<128x128xi1>, vector<128x128xi32>
      %get3A_491 = arith.constant 0 : index
      %get3A_492 = arith.constant 6656 : index
      %get3A_493 = vector.load %arg4[%get3A_491, %get3A_492] : memref<128x8192xf32, #tpu.memory_space<vmem>>, vector<128x128xf32>
      %lt3A_494 = arith.cmpf olt, %get3A_493, %select_n3A_487 : vector<128x128xf32>
      %select_n3A_495 = arith.select %lt3A_494, %get3A_493, %select_n3A_487 : vector<128x128xi1>, vector<128x128xf32>
      %jit3A_496 = arith.constant 52 : i32
      %broadcast_in_dim3A_497 = vector.broadcast %jit3A_496 : i32 to vector<128x128xi32>
      %select_n3A_498 = arith.select %lt3A_494, %broadcast_in_dim3A_497, %select_n3A_490 : vector<128x128xi1>, vector<128x128xi32>
      %get3A_499 = arith.constant 0 : index
      %get3A_500 = arith.constant 6784 : index
      %get3A_501 = vector.load %arg4[%get3A_499, %get3A_500] : memref<128x8192xf32, #tpu.memory_space<vmem>>, vector<128x128xf32>
      %lt3A_502 = arith.cmpf olt, %get3A_501, %select_n3A_495 : vector<128x128xf32>
      %select_n3A_503 = arith.select %lt3A_502, %get3A_501, %select_n3A_495 : vector<128x128xi1>, vector<128x128xf32>
      %jit3A_504 = arith.constant 53 : i32
      %broadcast_in_dim3A_505 = vector.broadcast %jit3A_504 : i32 to vector<128x128xi32>
      %select_n3A_506 = arith.select %lt3A_502, %broadcast_in_dim3A_505, %select_n3A_498 : vector<128x128xi1>, vector<128x128xi32>
      %get3A_507 = arith.constant 0 : index
      %get3A_508 = arith.constant 6912 : index
      %get3A_509 = vector.load %arg4[%get3A_507, %get3A_508] : memref<128x8192xf32, #tpu.memory_space<vmem>>, vector<128x128xf32>
      %lt3A_510 = arith.cmpf olt, %get3A_509, %select_n3A_503 : vector<128x128xf32>
      %select_n3A_511 = arith.select %lt3A_510, %get3A_509, %select_n3A_503 : vector<128x128xi1>, vector<128x128xf32>
      %jit3A_512 = arith.constant 54 : i32
      %broadcast_in_dim3A_513 = vector.broadcast %jit3A_512 : i32 to vector<128x128xi32>
      %select_n3A_514 = arith.select %lt3A_510, %broadcast_in_dim3A_513, %select_n3A_506 : vector<128x128xi1>, vector<128x128xi32>
      %get3A_515 = arith.constant 0 : index
      %get3A_516 = arith.constant 7040 : index
      %get3A_517 = vector.load %arg4[%get3A_515, %get3A_516] : memref<128x8192xf32, #tpu.memory_space<vmem>>, vector<128x128xf32>
      %lt3A_518 = arith.cmpf olt, %get3A_517, %select_n3A_511 : vector<128x128xf32>
      %select_n3A_519 = arith.select %lt3A_518, %get3A_517, %select_n3A_511 : vector<128x128xi1>, vector<128x128xf32>
      %jit3A_520 = arith.constant 55 : i32
      %broadcast_in_dim3A_521 = vector.broadcast %jit3A_520 : i32 to vector<128x128xi32>
      %select_n3A_522 = arith.select %lt3A_518, %broadcast_in_dim3A_521, %select_n3A_514 : vector<128x128xi1>, vector<128x128xi32>
      %get3A_523 = arith.constant 0 : index
      %get3A_524 = arith.constant 7168 : index
      %get3A_525 = vector.load %arg4[%get3A_523, %get3A_524] : memref<128x8192xf32, #tpu.memory_space<vmem>>, vector<128x128xf32>
      %lt3A_526 = arith.cmpf olt, %get3A_525, %select_n3A_519 : vector<128x128xf32>
      %select_n3A_527 = arith.select %lt3A_526, %get3A_525, %select_n3A_519 : vector<128x128xi1>, vector<128x128xf32>
      %jit3A_528 = arith.constant 56 : i32
      %broadcast_in_dim3A_529 = vector.broadcast %jit3A_528 : i32 to vector<128x128xi32>
      %select_n3A_530 = arith.select %lt3A_526, %broadcast_in_dim3A_529, %select_n3A_522 : vector<128x128xi1>, vector<128x128xi32>
      %get3A_531 = arith.constant 0 : index
      %get3A_532 = arith.constant 7296 : index
      %get3A_533 = vector.load %arg4[%get3A_531, %get3A_532] : memref<128x8192xf32, #tpu.memory_space<vmem>>, vector<128x128xf32>
      %lt3A_534 = arith.cmpf olt, %get3A_533, %select_n3A_527 : vector<128x128xf32>
      %select_n3A_535 = arith.select %lt3A_534, %get3A_533, %select_n3A_527 : vector<128x128xi1>, vector<128x128xf32>
      %jit3A_536 = arith.constant 57 : i32
      %broadcast_in_dim3A_537 = vector.broadcast %jit3A_536 : i32 to vector<128x128xi32>
      %select_n3A_538 = arith.select %lt3A_534, %broadcast_in_dim3A_537, %select_n3A_530 : vector<128x128xi1>, vector<128x128xi32>
      %get3A_539 = arith.constant 0 : index
      %get3A_540 = arith.constant 7424 : index
      %get3A_541 = vector.load %arg4[%get3A_539, %get3A_540] : memref<128x8192xf32, #tpu.memory_space<vmem>>, vector<128x128xf32>
      %lt3A_542 = arith.cmpf olt, %get3A_541, %select_n3A_535 : vector<128x128xf32>
      %select_n3A_543 = arith.select %lt3A_542, %get3A_541, %select_n3A_535 : vector<128x128xi1>, vector<128x128xf32>
      %jit3A_544 = arith.constant 58 : i32
      %broadcast_in_dim3A_545 = vector.broadcast %jit3A_544 : i32 to vector<128x128xi32>
      %select_n3A_546 = arith.select %lt3A_542, %broadcast_in_dim3A_545, %select_n3A_538 : vector<128x128xi1>, vector<128x128xi32>
      %get3A_547 = arith.constant 0 : index
      %get3A_548 = arith.constant 7552 : index
      %get3A_549 = vector.load %arg4[%get3A_547, %get3A_548] : memref<128x8192xf32, #tpu.memory_space<vmem>>, vector<128x128xf32>
      %lt3A_550 = arith.cmpf olt, %get3A_549, %select_n3A_543 : vector<128x128xf32>
      %select_n3A_551 = arith.select %lt3A_550, %get3A_549, %select_n3A_543 : vector<128x128xi1>, vector<128x128xf32>
      %jit3A_552 = arith.constant 59 : i32
      %broadcast_in_dim3A_553 = vector.broadcast %jit3A_552 : i32 to vector<128x128xi32>
      %select_n3A_554 = arith.select %lt3A_550, %broadcast_in_dim3A_553, %select_n3A_546 : vector<128x128xi1>, vector<128x128xi32>
      %get3A_555 = arith.constant 0 : index
      %get3A_556 = arith.constant 7680 : index
      %get3A_557 = vector.load %arg4[%get3A_555, %get3A_556] : memref<128x8192xf32, #tpu.memory_space<vmem>>, vector<128x128xf32>
      %lt3A_558 = arith.cmpf olt, %get3A_557, %select_n3A_551 : vector<128x128xf32>
      %select_n3A_559 = arith.select %lt3A_558, %get3A_557, %select_n3A_551 : vector<128x128xi1>, vector<128x128xf32>
      %jit3A_560 = arith.constant 60 : i32
      %broadcast_in_dim3A_561 = vector.broadcast %jit3A_560 : i32 to vector<128x128xi32>
      %select_n3A_562 = arith.select %lt3A_558, %broadcast_in_dim3A_561, %select_n3A_554 : vector<128x128xi1>, vector<128x128xi32>
      %get3A_563 = arith.constant 0 : index
      %get3A_564 = arith.constant 7808 : index
      %get3A_565 = vector.load %arg4[%get3A_563, %get3A_564] : memref<128x8192xf32, #tpu.memory_space<vmem>>, vector<128x128xf32>
      %lt3A_566 = arith.cmpf olt, %get3A_565, %select_n3A_559 : vector<128x128xf32>
      %select_n3A_567 = arith.select %lt3A_566, %get3A_565, %select_n3A_559 : vector<128x128xi1>, vector<128x128xf32>
      %jit3A_568 = arith.constant 61 : i32
      %broadcast_in_dim3A_569 = vector.broadcast %jit3A_568 : i32 to vector<128x128xi32>
      %select_n3A_570 = arith.select %lt3A_566, %broadcast_in_dim3A_569, %select_n3A_562 : vector<128x128xi1>, vector<128x128xi32>
      %get3A_571 = arith.constant 0 : index
      %get3A_572 = arith.constant 7936 : index
      %get3A_573 = vector.load %arg4[%get3A_571, %get3A_572] : memref<128x8192xf32, #tpu.memory_space<vmem>>, vector<128x128xf32>
      %lt3A_574 = arith.cmpf olt, %get3A_573, %select_n3A_567 : vector<128x128xf32>
      %select_n3A_575 = arith.select %lt3A_574, %get3A_573, %select_n3A_567 : vector<128x128xi1>, vector<128x128xf32>
      %jit3A_576 = arith.constant 62 : i32
      %broadcast_in_dim3A_577 = vector.broadcast %jit3A_576 : i32 to vector<128x128xi32>
      %select_n3A_578 = arith.select %lt3A_574, %broadcast_in_dim3A_577, %select_n3A_570 : vector<128x128xi1>, vector<128x128xi32>
      %get3A_579 = arith.constant 0 : index
      %get3A_580 = arith.constant 8064 : index
      %get3A_581 = vector.load %arg4[%get3A_579, %get3A_580] : memref<128x8192xf32, #tpu.memory_space<vmem>>, vector<128x128xf32>
      %lt3A_582 = arith.cmpf olt, %get3A_581, %select_n3A_575 : vector<128x128xf32>
      %select_n3A_583 = arith.select %lt3A_582, %get3A_581, %select_n3A_575 : vector<128x128xi1>, vector<128x128xf32>
      %jit3A_584 = arith.constant 63 : i32
      %broadcast_in_dim3A_585 = vector.broadcast %jit3A_584 : i32 to vector<128x128xi32>
      %select_n3A_586 = arith.select %lt3A_582, %broadcast_in_dim3A_585, %select_n3A_578 : vector<128x128xi1>, vector<128x128xi32>
      %broadcast_in_dim3A_587 = vector.shape_cast %select_n3A_583 : vector<128x128xf32> to vector<1x128x128xf32>
      %swap3A_588 = arith.index_cast %while3A_76 : i32 to index
      %swap3A_589 = arith.constant 0 : index
      %swap3A_590 = arith.constant 0 : index
      %swap3A_591 = vector.load %arg5[%swap3A_588, %swap3A_589, %swap3A_590] : memref<64x128x128xf32, #tpu.memory_space<vmem>>, vector<1x128x128xf32>
      tpu.vector_store %arg5[%swap3A_588, %swap3A_589, %swap3A_590], %broadcast_in_dim3A_587 {strides = array<i32>} : memref<64x128x128xf32, #tpu.memory_space<vmem>>, vector<1x128x128xf32>,
      %mul3A_592 = arith.constant 128 : i32
      %mul3A_593 = vector.broadcast %mul3A_592 : i32 to vector<128x128xi32>
      %mul3A_594 = arith.muli %select_n3A_586, %mul3A_593 : vector<128x128xi32>
      %add3A_595 = arith.addi %mul3A_594, %iota3A_40 : vector<128x128xi32>
      %broadcast_in_dim3A_596 = vector.shape_cast %add3A_595 : vector<128x128xi32> to vector<1x128x128xi32>
      %swap3A_597 = arith.index_cast %while3A_76 : i32 to index
      %swap3A_598 = arith.constant 0 : index
      %swap3A_599 = arith.constant 0 : index
      %swap3A_600 = vector.load %arg6[%swap3A_597, %swap3A_598, %swap3A_599] : memref<64x128x128xi32, #tpu.memory_space<vmem>>, vector<1x128x128xi32>
      tpu.vector_store %arg6[%swap3A_597, %swap3A_598, %swap3A_599], %broadcast_in_dim3A_596 {strides = array<i32>} : memref<64x128x128xi32, #tpu.memory_space<vmem>>, vector<1x128x128xi32>,
      %eq3A_601 = arith.constant 0 : i32
      %eq3A_602 = vector.broadcast %eq3A_601 : i32 to vector<128x128xi32>
      %eq3A_603 = arith.cmpi eq, %select_n3A_586, %eq3A_602 : vector<128x128xi32>
      %get3A_604 = arith.constant 0 : index
      %get3A_605 = arith.constant 0 : index
      %get3A_606 = vector.load %arg4[%get3A_604, %get3A_605] : memref<128x8192xf32, #tpu.memory_space<vmem>>, vector<128x128xf32>
      %jit3A_607 = arith.constant 0x7F800000 : f32
      %broadcast_in_dim3A_608 = vector.broadcast %jit3A_607 : f32 to vector<128x128xf32>
      %select_n3A_609 = arith.select %eq3A_603, %broadcast_in_dim3A_608, %get3A_606 : vector<128x128xi1>, vector<128x128xf32>
      %swap3A_610 = arith.constant 0 : index
      %swap3A_611 = arith.constant 0 : index
      %swap3A_612 = vector.load %arg4[%swap3A_610, %swap3A_611] : memref<128x8192xf32, #tpu.memory_space<vmem>>, vector<128x128xf32>
      tpu.vector_store %arg4[%swap3A_610, %swap3A_611], %select_n3A_609 {strides = array<i32>} : memref<128x8192xf32, #tpu.memory_space<vmem>>, vector<128x128xf32>,
      %eq3A_613 = arith.constant 1 : i32
      %eq3A_614 = vector.broadcast %eq3A_613 : i32 to vector<128x128xi32>
      %eq3A_615 = arith.cmpi eq, %select_n3A_586, %eq3A_614 : vector<128x128xi32>
      %get3A_616 = arith.constant 0 : index
      %get3A_617 = arith.constant 128 : index
      %get3A_618 = vector.load %arg4[%get3A_616, %get3A_617] : memref<128x8192xf32, #tpu.memory_space<vmem>>, vector<128x128xf32>
      %jit3A_619 = arith.constant 0x7F800000 : f32
      %broadcast_in_dim3A_620 = vector.broadcast %jit3A_619 : f32 to vector<128x128xf32>
      %select_n3A_621 = arith.select %eq3A_615, %broadcast_in_dim3A_620, %get3A_618 : vector<128x128xi1>, vector<128x128xf32>
      %swap3A_622 = arith.constant 0 : index
      %swap3A_623 = arith.constant 128 : index
      %swap3A_624 = vector.load %arg4[%swap3A_622, %swap3A_623] : memref<128x8192xf32, #tpu.memory_space<vmem>>, vector<128x128xf32>
      tpu.vector_store %arg4[%swap3A_622, %swap3A_623], %select_n3A_621 {strides = array<i32>} : memref<128x8192xf32, #tpu.memory_space<vmem>>, vector<128x128xf32>,
      %eq3A_625 = arith.constant 2 : i32
      %eq3A_626 = vector.broadcast %eq3A_625 : i32 to vector<128x128xi32>
      %eq3A_627 = arith.cmpi eq, %select_n3A_586, %eq3A_626 : vector<128x128xi32>
      %get3A_628 = arith.constant 0 : index
      %get3A_629 = arith.constant 256 : index
      %get3A_630 = vector.load %arg4[%get3A_628, %get3A_629] : memref<128x8192xf32, #tpu.memory_space<vmem>>, vector<128x128xf32>
      %jit3A_631 = arith.constant 0x7F800000 : f32
      %broadcast_in_dim3A_632 = vector.broadcast %jit3A_631 : f32 to vector<128x128xf32>
      %select_n3A_633 = arith.select %eq3A_627, %broadcast_in_dim3A_632, %get3A_630 : vector<128x128xi1>, vector<128x128xf32>
      %swap3A_634 = arith.constant 0 : index
      %swap3A_635 = arith.constant 256 : index
      %swap3A_636 = vector.load %arg4[%swap3A_634, %swap3A_635] : memref<128x8192xf32, #tpu.memory_space<vmem>>, vector<128x128xf32>
      tpu.vector_store %arg4[%swap3A_634, %swap3A_635], %select_n3A_633 {strides = array<i32>} : memref<128x8192xf32, #tpu.memory_space<vmem>>, vector<128x128xf32>,
      %eq3A_637 = arith.constant 3 : i32
      %eq3A_638 = vector.broadcast %eq3A_637 : i32 to vector<128x128xi32>
      %eq3A_639 = arith.cmpi eq, %select_n3A_586, %eq3A_638 : vector<128x128xi32>
      %get3A_640 = arith.constant 0 : index
      %get3A_641 = arith.constant 384 : index
      %get3A_642 = vector.load %arg4[%get3A_640, %get3A_641] : memref<128x8192xf32, #tpu.memory_space<vmem>>, vector<128x128xf32>
      %jit3A_643 = arith.constant 0x7F800000 : f32
      %broadcast_in_dim3A_644 = vector.broadcast %jit3A_643 : f32 to vector<128x128xf32>
      %select_n3A_645 = arith.select %eq3A_639, %broadcast_in_dim3A_644, %get3A_642 : vector<128x128xi1>, vector<128x128xf32>
      %swap3A_646 = arith.constant 0 : index
      %swap3A_647 = arith.constant 384 : index
      %swap3A_648 = vector.load %arg4[%swap3A_646, %swap3A_647] : memref<128x8192xf32, #tpu.memory_space<vmem>>, vector<128x128xf32>
      tpu.vector_store %arg4[%swap3A_646, %swap3A_647], %select_n3A_645 {strides = array<i32>} : memref<128x8192xf32, #tpu.memory_space<vmem>>, vector<128x128xf32>,
      %eq3A_649 = arith.constant 4 : i32
      %eq3A_650 = vector.broadcast %eq3A_649 : i32 to vector<128x128xi32>
      %eq3A_651 = arith.cmpi eq, %select_n3A_586, %eq3A_650 : vector<128x128xi32>
      %get3A_652 = arith.constant 0 : index
      %get3A_653 = arith.constant 512 : index
      %get3A_654 = vector.load %arg4[%get3A_652, %get3A_653] : memref<128x8192xf32, #tpu.memory_space<vmem>>, vector<128x128xf32>
      %jit3A_655 = arith.constant 0x7F800000 : f32
      %broadcast_in_dim3A_656 = vector.broadcast %jit3A_655 : f32 to vector<128x128xf32>
      %select_n3A_657 = arith.select %eq3A_651, %broadcast_in_dim3A_656, %get3A_654 : vector<128x128xi1>, vector<128x128xf32>
      %swap3A_658 = arith.constant 0 : index
      %swap3A_659 = arith.constant 512 : index
      %swap3A_660 = vector.load %arg4[%swap3A_658, %swap3A_659] : memref<128x8192xf32, #tpu.memory_space<vmem>>, vector<128x128xf32>
      tpu.vector_store %arg4[%swap3A_658, %swap3A_659], %select_n3A_657 {strides = array<i32>} : memref<128x8192xf32, #tpu.memory_space<vmem>>, vector<128x128xf32>,
      %eq3A_661 = arith.constant 5 : i32
      %eq3A_662 = vector.broadcast %eq3A_661 : i32 to vector<128x128xi32>
      %eq3A_663 = arith.cmpi eq, %select_n3A_586, %eq3A_662 : vector<128x128xi32>
      %get3A_664 = arith.constant 0 : index
      %get3A_665 = arith.constant 640 : index
      %get3A_666 = vector.load %arg4[%get3A_664, %get3A_665] : memref<128x8192xf32, #tpu.memory_space<vmem>>, vector<128x128xf32>
      %jit3A_667 = arith.constant 0x7F800000 : f32
      %broadcast_in_dim3A_668 = vector.broadcast %jit3A_667 : f32 to vector<128x128xf32>
      %select_n3A_669 = arith.select %eq3A_663, %broadcast_in_dim3A_668, %get3A_666 : vector<128x128xi1>, vector<128x128xf32>
      %swap3A_670 = arith.constant 0 : index
      %swap3A_671 = arith.constant 640 : index
      %swap3A_672 = vector.load %arg4[%swap3A_670, %swap3A_671] : memref<128x8192xf32, #tpu.memory_space<vmem>>, vector<128x128xf32>
      tpu.vector_store %arg4[%swap3A_670, %swap3A_671], %select_n3A_669 {strides = array<i32>} : memref<128x8192xf32, #tpu.memory_space<vmem>>, vector<128x128xf32>,
      %eq3A_673 = arith.constant 6 : i32
      %eq3A_674 = vector.broadcast %eq3A_673 : i32 to vector<128x128xi32>
      %eq3A_675 = arith.cmpi eq, %select_n3A_586, %eq3A_674 : vector<128x128xi32>
      %get3A_676 = arith.constant 0 : index
      %get3A_677 = arith.constant 768 : index
      %get3A_678 = vector.load %arg4[%get3A_676, %get3A_677] : memref<128x8192xf32, #tpu.memory_space<vmem>>, vector<128x128xf32>
      %jit3A_679 = arith.constant 0x7F800000 : f32
      %broadcast_in_dim3A_680 = vector.broadcast %jit3A_679 : f32 to vector<128x128xf32>
      %select_n3A_681 = arith.select %eq3A_675, %broadcast_in_dim3A_680, %get3A_678 : vector<128x128xi1>, vector<128x128xf32>
      %swap3A_682 = arith.constant 0 : index
      %swap3A_683 = arith.constant 768 : index
      %swap3A_684 = vector.load %arg4[%swap3A_682, %swap3A_683] : memref<128x8192xf32, #tpu.memory_space<vmem>>, vector<128x128xf32>
      tpu.vector_store %arg4[%swap3A_682, %swap3A_683], %select_n3A_681 {strides = array<i32>} : memref<128x8192xf32, #tpu.memory_space<vmem>>, vector<128x128xf32>,
      %eq3A_685 = arith.constant 7 : i32
      %eq3A_686 = vector.broadcast %eq3A_685 : i32 to vector<128x128xi32>
      %eq3A_687 = arith.cmpi eq, %select_n3A_586, %eq3A_686 : vector<128x128xi32>
      %get3A_688 = arith.constant 0 : index
      %get3A_689 = arith.constant 896 : index
      %get3A_690 = vector.load %arg4[%get3A_688, %get3A_689] : memref<128x8192xf32, #tpu.memory_space<vmem>>, vector<128x128xf32>
      %jit3A_691 = arith.constant 0x7F800000 : f32
      %broadcast_in_dim3A_692 = vector.broadcast %jit3A_691 : f32 to vector<128x128xf32>
      %select_n3A_693 = arith.select %eq3A_687, %broadcast_in_dim3A_692, %get3A_690 : vector<128x128xi1>, vector<128x128xf32>
      %swap3A_694 = arith.constant 0 : index
      %swap3A_695 = arith.constant 896 : index
      %swap3A_696 = vector.load %arg4[%swap3A_694, %swap3A_695] : memref<128x8192xf32, #tpu.memory_space<vmem>>, vector<128x128xf32>
      tpu.vector_store %arg4[%swap3A_694, %swap3A_695], %select_n3A_693 {strides = array<i32>} : memref<128x8192xf32, #tpu.memory_space<vmem>>, vector<128x128xf32>,
      %eq3A_697 = arith.constant 8 : i32
      %eq3A_698 = vector.broadcast %eq3A_697 : i32 to vector<128x128xi32>
      %eq3A_699 = arith.cmpi eq, %select_n3A_586, %eq3A_698 : vector<128x128xi32>
      %get3A_700 = arith.constant 0 : index
      %get3A_701 = arith.constant 1024 : index
      %get3A_702 = vector.load %arg4[%get3A_700, %get3A_701] : memref<128x8192xf32, #tpu.memory_space<vmem>>, vector<128x128xf32>
      %jit3A_703 = arith.constant 0x7F800000 : f32
      %broadcast_in_dim3A_704 = vector.broadcast %jit3A_703 : f32 to vector<128x128xf32>
      %select_n3A_705 = arith.select %eq3A_699, %broadcast_in_dim3A_704, %get3A_702 : vector<128x128xi1>, vector<128x128xf32>
      %swap3A_706 = arith.constant 0 : index
      %swap3A_707 = arith.constant 1024 : index
      %swap3A_708 = vector.load %arg4[%swap3A_706, %swap3A_707] : memref<128x8192xf32, #tpu.memory_space<vmem>>, vector<128x128xf32>
      tpu.vector_store %arg4[%swap3A_706, %swap3A_707], %select_n3A_705 {strides = array<i32>} : memref<128x8192xf32, #tpu.memory_space<vmem>>, vector<128x128xf32>,
      %eq3A_709 = arith.constant 9 : i32
      %eq3A_710 = vector.broadcast %eq3A_709 : i32 to vector<128x128xi32>
      %eq3A_711 = arith.cmpi eq, %select_n3A_586, %eq3A_710 : vector<128x128xi32>
      %get3A_712 = arith.constant 0 : index
      %get3A_713 = arith.constant 1152 : index
      %get3A_714 = vector.load %arg4[%get3A_712, %get3A_713] : memref<128x8192xf32, #tpu.memory_space<vmem>>, vector<128x128xf32>
      %jit3A_715 = arith.constant 0x7F800000 : f32
      %broadcast_in_dim3A_716 = vector.broadcast %jit3A_715 : f32 to vector<128x128xf32>
      %select_n3A_717 = arith.select %eq3A_711, %broadcast_in_dim3A_716, %get3A_714 : vector<128x128xi1>, vector<128x128xf32>
      %swap3A_718 = arith.constant 0 : index
      %swap3A_719 = arith.constant 1152 : index
      %swap3A_720 = vector.load %arg4[%swap3A_718, %swap3A_719] : memref<128x8192xf32, #tpu.memory_space<vmem>>, vector<128x128xf32>
      tpu.vector_store %arg4[%swap3A_718, %swap3A_719], %select_n3A_717 {strides = array<i32>} : memref<128x8192xf32, #tpu.memory_space<vmem>>, vector<128x128xf32>,
      %eq3A_721 = arith.constant 10 : i32
      %eq3A_722 = vector.broadcast %eq3A_721 : i32 to vector<128x128xi32>
      %eq3A_723 = arith.cmpi eq, %select_n3A_586, %eq3A_722 : vector<128x128xi32>
      %get3A_724 = arith.constant 0 : index
      %get3A_725 = arith.constant 1280 : index
      %get3A_726 = vector.load %arg4[%get3A_724, %get3A_725] : memref<128x8192xf32, #tpu.memory_space<vmem>>, vector<128x128xf32>
      %jit3A_727 = arith.constant 0x7F800000 : f32
      %broadcast_in_dim3A_728 = vector.broadcast %jit3A_727 : f32 to vector<128x128xf32>
      %select_n3A_729 = arith.select %eq3A_723, %broadcast_in_dim3A_728, %get3A_726 : vector<128x128xi1>, vector<128x128xf32>
      %swap3A_730 = arith.constant 0 : index
      %swap3A_731 = arith.constant 1280 : index
      %swap3A_732 = vector.load %arg4[%swap3A_730, %swap3A_731] : memref<128x8192xf32, #tpu.memory_space<vmem>>, vector<128x128xf32>
      tpu.vector_store %arg4[%swap3A_730, %swap3A_731], %select_n3A_729 {strides = array<i32>} : memref<128x8192xf32, #tpu.memory_space<vmem>>, vector<128x128xf32>,
      %eq3A_733 = arith.constant 11 : i32
      %eq3A_734 = vector.broadcast %eq3A_733 : i32 to vector<128x128xi32>
      %eq3A_735 = arith.cmpi eq, %select_n3A_586, %eq3A_734 : vector<128x128xi32>
      %get3A_736 = arith.constant 0 : index
      %get3A_737 = arith.constant 1408 : index
      %get3A_738 = vector.load %arg4[%get3A_736, %get3A_737] : memref<128x8192xf32, #tpu.memory_space<vmem>>, vector<128x128xf32>
      %jit3A_739 = arith.constant 0x7F800000 : f32
      %broadcast_in_dim3A_740 = vector.broadcast %jit3A_739 : f32 to vector<128x128xf32>
      %select_n3A_741 = arith.select %eq3A_735, %broadcast_in_dim3A_740, %get3A_738 : vector<128x128xi1>, vector<128x128xf32>
      %swap3A_742 = arith.constant 0 : index
      %swap3A_743 = arith.constant 1408 : index
      %swap3A_744 = vector.load %arg4[%swap3A_742, %swap3A_743] : memref<128x8192xf32, #tpu.memory_space<vmem>>, vector<128x128xf32>
      tpu.vector_store %arg4[%swap3A_742, %swap3A_743], %select_n3A_741 {strides = array<i32>} : memref<128x8192xf32, #tpu.memory_space<vmem>>, vector<128x128xf32>,
      %eq3A_745 = arith.constant 12 : i32
      %eq3A_746 = vector.broadcast %eq3A_745 : i32 to vector<128x128xi32>
      %eq3A_747 = arith.cmpi eq, %select_n3A_586, %eq3A_746 : vector<128x128xi32>
      %get3A_748 = arith.constant 0 : index
      %get3A_749 = arith.constant 1536 : index
      %get3A_750 = vector.load %arg4[%get3A_748, %get3A_749] : memref<128x8192xf32, #tpu.memory_space<vmem>>, vector<128x128xf32>
      %jit3A_751 = arith.constant 0x7F800000 : f32
      %broadcast_in_dim3A_752 = vector.broadcast %jit3A_751 : f32 to vector<128x128xf32>
      %select_n3A_753 = arith.select %eq3A_747, %broadcast_in_dim3A_752, %get3A_750 : vector<128x128xi1>, vector<128x128xf32>
      %swap3A_754 = arith.constant 0 : index
      %swap3A_755 = arith.constant 1536 : index
      %swap3A_756 = vector.load %arg4[%swap3A_754, %swap3A_755] : memref<128x8192xf32, #tpu.memory_space<vmem>>, vector<128x128xf32>
      tpu.vector_store %arg4[%swap3A_754, %swap3A_755], %select_n3A_753 {strides = array<i32>} : memref<128x8192xf32, #tpu.memory_space<vmem>>, vector<128x128xf32>,
      %eq3A_757 = arith.constant 13 : i32
      %eq3A_758 = vector.broadcast %eq3A_757 : i32 to vector<128x128xi32>
      %eq3A_759 = arith.cmpi eq, %select_n3A_586, %eq3A_758 : vector<128x128xi32>
      %get3A_760 = arith.constant 0 : index
      %get3A_761 = arith.constant 1664 : index
      %get3A_762 = vector.load %arg4[%get3A_760, %get3A_761] : memref<128x8192xf32, #tpu.memory_space<vmem>>, vector<128x128xf32>
      %jit3A_763 = arith.constant 0x7F800000 : f32
      %broadcast_in_dim3A_764 = vector.broadcast %jit3A_763 : f32 to vector<128x128xf32>
      %select_n3A_765 = arith.select %eq3A_759, %broadcast_in_dim3A_764, %get3A_762 : vector<128x128xi1>, vector<128x128xf32>
      %swap3A_766 = arith.constant 0 : index
      %swap3A_767 = arith.constant 1664 : index
      %swap3A_768 = vector.load %arg4[%swap3A_766, %swap3A_767] : memref<128x8192xf32, #tpu.memory_space<vmem>>, vector<128x128xf32>
      tpu.vector_store %arg4[%swap3A_766, %swap3A_767], %select_n3A_765 {strides = array<i32>} : memref<128x8192xf32, #tpu.memory_space<vmem>>, vector<128x128xf32>,
      %eq3A_769 = arith.constant 14 : i32
      %eq3A_770 = vector.broadcast %eq3A_769 : i32 to vector<128x128xi32>
      %eq3A_771 = arith.cmpi eq, %select_n3A_586, %eq3A_770 : vector<128x128xi32>
      %get3A_772 = arith.constant 0 : index
      %get3A_773 = arith.constant 1792 : index
      %get3A_774 = vector.load %arg4[%get3A_772, %get3A_773] : memref<128x8192xf32, #tpu.memory_space<vmem>>, vector<128x128xf32>
      %jit3A_775 = arith.constant 0x7F800000 : f32
      %broadcast_in_dim3A_776 = vector.broadcast %jit3A_775 : f32 to vector<128x128xf32>
      %select_n3A_777 = arith.select %eq3A_771, %broadcast_in_dim3A_776, %get3A_774 : vector<128x128xi1>, vector<128x128xf32>
      %swap3A_778 = arith.constant 0 : index
      %swap3A_779 = arith.constant 1792 : index
      %swap3A_780 = vector.load %arg4[%swap3A_778, %swap3A_779] : memref<128x8192xf32, #tpu.memory_space<vmem>>, vector<128x128xf32>
      tpu.vector_store %arg4[%swap3A_778, %swap3A_779], %select_n3A_777 {strides = array<i32>} : memref<128x8192xf32, #tpu.memory_space<vmem>>, vector<128x128xf32>,
      %eq3A_781 = arith.constant 15 : i32
      %eq3A_782 = vector.broadcast %eq3A_781 : i32 to vector<128x128xi32>
      %eq3A_783 = arith.cmpi eq, %select_n3A_586, %eq3A_782 : vector<128x128xi32>
      %get3A_784 = arith.constant 0 : index
      %get3A_785 = arith.constant 1920 : index
      %get3A_786 = vector.load %arg4[%get3A_784, %get3A_785] : memref<128x8192xf32, #tpu.memory_space<vmem>>, vector<128x128xf32>
      %jit3A_787 = arith.constant 0x7F800000 : f32
      %broadcast_in_dim3A_788 = vector.broadcast %jit3A_787 : f32 to vector<128x128xf32>
      %select_n3A_789 = arith.select %eq3A_783, %broadcast_in_dim3A_788, %get3A_786 : vector<128x128xi1>, vector<128x128xf32>
      %swap3A_790 = arith.constant 0 : index
      %swap3A_791 = arith.constant 1920 : index
      %swap3A_792 = vector.load %arg4[%swap3A_790, %swap3A_791] : memref<128x8192xf32, #tpu.memory_space<vmem>>, vector<128x128xf32>
      tpu.vector_store %arg4[%swap3A_790, %swap3A_791], %select_n3A_789 {strides = array<i32>} : memref<128x8192xf32, #tpu.memory_space<vmem>>, vector<128x128xf32>,
      %eq3A_793 = arith.constant 16 : i32
      %eq3A_794 = vector.broadcast %eq3A_793 : i32 to vector<128x128xi32>
      %eq3A_795 = arith.cmpi eq, %select_n3A_586, %eq3A_794 : vector<128x128xi32>
      %get3A_796 = arith.constant 0 : index
      %get3A_797 = arith.constant 2048 : index
      %get3A_798 = vector.load %arg4[%get3A_796, %get3A_797] : memref<128x8192xf32, #tpu.memory_space<vmem>>, vector<128x128xf32>
      %jit3A_799 = arith.constant 0x7F800000 : f32
      %broadcast_in_dim3A_800 = vector.broadcast %jit3A_799 : f32 to vector<128x128xf32>
      %select_n3A_801 = arith.select %eq3A_795, %broadcast_in_dim3A_800, %get3A_798 : vector<128x128xi1>, vector<128x128xf32>
      %swap3A_802 = arith.constant 0 : index
      %swap3A_803 = arith.constant 2048 : index
      %swap3A_804 = vector.load %arg4[%swap3A_802, %swap3A_803] : memref<128x8192xf32, #tpu.memory_space<vmem>>, vector<128x128xf32>
      tpu.vector_store %arg4[%swap3A_802, %swap3A_803], %select_n3A_801 {strides = array<i32>} : memref<128x8192xf32, #tpu.memory_space<vmem>>, vector<128x128xf32>,
      %eq3A_805 = arith.constant 17 : i32
      %eq3A_806 = vector.broadcast %eq3A_805 : i32 to vector<128x128xi32>
      %eq3A_807 = arith.cmpi eq, %select_n3A_586, %eq3A_806 : vector<128x128xi32>
      %get3A_808 = arith.constant 0 : index
      %get3A_809 = arith.constant 2176 : index
      %get3A_810 = vector.load %arg4[%get3A_808, %get3A_809] : memref<128x8192xf32, #tpu.memory_space<vmem>>, vector<128x128xf32>
      %jit3A_811 = arith.constant 0x7F800000 : f32
      %broadcast_in_dim3A_812 = vector.broadcast %jit3A_811 : f32 to vector<128x128xf32>
      %select_n3A_813 = arith.select %eq3A_807, %broadcast_in_dim3A_812, %get3A_810 : vector<128x128xi1>, vector<128x128xf32>
      %swap3A_814 = arith.constant 0 : index
      %swap3A_815 = arith.constant 2176 : index
      %swap3A_816 = vector.load %arg4[%swap3A_814, %swap3A_815] : memref<128x8192xf32, #tpu.memory_space<vmem>>, vector<128x128xf32>
      tpu.vector_store %arg4[%swap3A_814, %swap3A_815], %select_n3A_813 {strides = array<i32>} : memref<128x8192xf32, #tpu.memory_space<vmem>>, vector<128x128xf32>,
      %eq3A_817 = arith.constant 18 : i32
      %eq3A_818 = vector.broadcast %eq3A_817 : i32 to vector<128x128xi32>
      %eq3A_819 = arith.cmpi eq, %select_n3A_586, %eq3A_818 : vector<128x128xi32>
      %get3A_820 = arith.constant 0 : index
      %get3A_821 = arith.constant 2304 : index
      %get3A_822 = vector.load %arg4[%get3A_820, %get3A_821] : memref<128x8192xf32, #tpu.memory_space<vmem>>, vector<128x128xf32>
      %jit3A_823 = arith.constant 0x7F800000 : f32
      %broadcast_in_dim3A_824 = vector.broadcast %jit3A_823 : f32 to vector<128x128xf32>
      %select_n3A_825 = arith.select %eq3A_819, %broadcast_in_dim3A_824, %get3A_822 : vector<128x128xi1>, vector<128x128xf32>
      %swap3A_826 = arith.constant 0 : index
      %swap3A_827 = arith.constant 2304 : index
      %swap3A_828 = vector.load %arg4[%swap3A_826, %swap3A_827] : memref<128x8192xf32, #tpu.memory_space<vmem>>, vector<128x128xf32>
      tpu.vector_store %arg4[%swap3A_826, %swap3A_827], %select_n3A_825 {strides = array<i32>} : memref<128x8192xf32, #tpu.memory_space<vmem>>, vector<128x128xf32>,
      %eq3A_829 = arith.constant 19 : i32
      %eq3A_830 = vector.broadcast %eq3A_829 : i32 to vector<128x128xi32>
      %eq3A_831 = arith.cmpi eq, %select_n3A_586, %eq3A_830 : vector<128x128xi32>
      %get3A_832 = arith.constant 0 : index
      %get3A_833 = arith.constant 2432 : index
      %get3A_834 = vector.load %arg4[%get3A_832, %get3A_833] : memref<128x8192xf32, #tpu.memory_space<vmem>>, vector<128x128xf32>
      %jit3A_835 = arith.constant 0x7F800000 : f32
      %broadcast_in_dim3A_836 = vector.broadcast %jit3A_835 : f32 to vector<128x128xf32>
      %select_n3A_837 = arith.select %eq3A_831, %broadcast_in_dim3A_836, %get3A_834 : vector<128x128xi1>, vector<128x128xf32>
      %swap3A_838 = arith.constant 0 : index
      %swap3A_839 = arith.constant 2432 : index
      %swap3A_840 = vector.load %arg4[%swap3A_838, %swap3A_839] : memref<128x8192xf32, #tpu.memory_space<vmem>>, vector<128x128xf32>
      tpu.vector_store %arg4[%swap3A_838, %swap3A_839], %select_n3A_837 {strides = array<i32>} : memref<128x8192xf32, #tpu.memory_space<vmem>>, vector<128x128xf32>,
      %eq3A_841 = arith.constant 20 : i32
      %eq3A_842 = vector.broadcast %eq3A_841 : i32 to vector<128x128xi32>
      %eq3A_843 = arith.cmpi eq, %select_n3A_586, %eq3A_842 : vector<128x128xi32>
      %get3A_844 = arith.constant 0 : index
      %get3A_845 = arith.constant 2560 : index
      %get3A_846 = vector.load %arg4[%get3A_844, %get3A_845] : memref<128x8192xf32, #tpu.memory_space<vmem>>, vector<128x128xf32>
      %jit3A_847 = arith.constant 0x7F800000 : f32
      %broadcast_in_dim3A_848 = vector.broadcast %jit3A_847 : f32 to vector<128x128xf32>
      %select_n3A_849 = arith.select %eq3A_843, %broadcast_in_dim3A_848, %get3A_846 : vector<128x128xi1>, vector<128x128xf32>
      %swap3A_850 = arith.constant 0 : index
      %swap3A_851 = arith.constant 2560 : index
      %swap3A_852 = vector.load %arg4[%swap3A_850, %swap3A_851] : memref<128x8192xf32, #tpu.memory_space<vmem>>, vector<128x128xf32>
      tpu.vector_store %arg4[%swap3A_850, %swap3A_851], %select_n3A_849 {strides = array<i32>} : memref<128x8192xf32, #tpu.memory_space<vmem>>, vector<128x128xf32>,
      %eq3A_853 = arith.constant 21 : i32
      %eq3A_854 = vector.broadcast %eq3A_853 : i32 to vector<128x128xi32>
      %eq3A_855 = arith.cmpi eq, %select_n3A_586, %eq3A_854 : vector<128x128xi32>
      %get3A_856 = arith.constant 0 : index
      %get3A_857 = arith.constant 2688 : index
      %get3A_858 = vector.load %arg4[%get3A_856, %get3A_857] : memref<128x8192xf32, #tpu.memory_space<vmem>>, vector<128x128xf32>
      %jit3A_859 = arith.constant 0x7F800000 : f32
      %broadcast_in_dim3A_860 = vector.broadcast %jit3A_859 : f32 to vector<128x128xf32>
      %select_n3A_861 = arith.select %eq3A_855, %broadcast_in_dim3A_860, %get3A_858 : vector<128x128xi1>, vector<128x128xf32>
      %swap3A_862 = arith.constant 0 : index
      %swap3A_863 = arith.constant 2688 : index
      %swap3A_864 = vector.load %arg4[%swap3A_862, %swap3A_863] : memref<128x8192xf32, #tpu.memory_space<vmem>>, vector<128x128xf32>
      tpu.vector_store %arg4[%swap3A_862, %swap3A_863], %select_n3A_861 {strides = array<i32>} : memref<128x8192xf32, #tpu.memory_space<vmem>>, vector<128x128xf32>,
      %eq3A_865 = arith.constant 22 : i32
      %eq3A_866 = vector.broadcast %eq3A_865 : i32 to vector<128x128xi32>
      %eq3A_867 = arith.cmpi eq, %select_n3A_586, %eq3A_866 : vector<128x128xi32>
      %get3A_868 = arith.constant 0 : index
      %get3A_869 = arith.constant 2816 : index
      %get3A_870 = vector.load %arg4[%get3A_868, %get3A_869] : memref<128x8192xf32, #tpu.memory_space<vmem>>, vector<128x128xf32>
      %jit3A_871 = arith.constant 0x7F800000 : f32
      %broadcast_in_dim3A_872 = vector.broadcast %jit3A_871 : f32 to vector<128x128xf32>
      %select_n3A_873 = arith.select %eq3A_867, %broadcast_in_dim3A_872, %get3A_870 : vector<128x128xi1>, vector<128x128xf32>
      %swap3A_874 = arith.constant 0 : index
      %swap3A_875 = arith.constant 2816 : index
      %swap3A_876 = vector.load %arg4[%swap3A_874, %swap3A_875] : memref<128x8192xf32, #tpu.memory_space<vmem>>, vector<128x128xf32>
      tpu.vector_store %arg4[%swap3A_874, %swap3A_875], %select_n3A_873 {strides = array<i32>} : memref<128x8192xf32, #tpu.memory_space<vmem>>, vector<128x128xf32>,
      %eq3A_877 = arith.constant 23 : i32
      %eq3A_878 = vector.broadcast %eq3A_877 : i32 to vector<128x128xi32>
      %eq3A_879 = arith.cmpi eq, %select_n3A_586, %eq3A_878 : vector<128x128xi32>
      %get3A_880 = arith.constant 0 : index
      %get3A_881 = arith.constant 2944 : index
      %get3A_882 = vector.load %arg4[%get3A_880, %get3A_881] : memref<128x8192xf32, #tpu.memory_space<vmem>>, vector<128x128xf32>
      %jit3A_883 = arith.constant 0x7F800000 : f32
      %broadcast_in_dim3A_884 = vector.broadcast %jit3A_883 : f32 to vector<128x128xf32>
      %select_n3A_885 = arith.select %eq3A_879, %broadcast_in_dim3A_884, %get3A_882 : vector<128x128xi1>, vector<128x128xf32>
      %swap3A_886 = arith.constant 0 : index
      %swap3A_887 = arith.constant 2944 : index
      %swap3A_888 = vector.load %arg4[%swap3A_886, %swap3A_887] : memref<128x8192xf32, #tpu.memory_space<vmem>>, vector<128x128xf32>
      tpu.vector_store %arg4[%swap3A_886, %swap3A_887], %select_n3A_885 {strides = array<i32>} : memref<128x8192xf32, #tpu.memory_space<vmem>>, vector<128x128xf32>,
      %eq3A_889 = arith.constant 24 : i32
      %eq3A_890 = vector.broadcast %eq3A_889 : i32 to vector<128x128xi32>
      %eq3A_891 = arith.cmpi eq, %select_n3A_586, %eq3A_890 : vector<128x128xi32>
      %get3A_892 = arith.constant 0 : index
      %get3A_893 = arith.constant 3072 : index
      %get3A_894 = vector.load %arg4[%get3A_892, %get3A_893] : memref<128x8192xf32, #tpu.memory_space<vmem>>, vector<128x128xf32>
      %jit3A_895 = arith.constant 0x7F800000 : f32
      %broadcast_in_dim3A_896 = vector.broadcast %jit3A_895 : f32 to vector<128x128xf32>
      %select_n3A_897 = arith.select %eq3A_891, %broadcast_in_dim3A_896, %get3A_894 : vector<128x128xi1>, vector<128x128xf32>
      %swap3A_898 = arith.constant 0 : index
      %swap3A_899 = arith.constant 3072 : index
      %swap3A_900 = vector.load %arg4[%swap3A_898, %swap3A_899] : memref<128x8192xf32, #tpu.memory_space<vmem>>, vector<128x128xf32>
      tpu.vector_store %arg4[%swap3A_898, %swap3A_899], %select_n3A_897 {strides = array<i32>} : memref<128x8192xf32, #tpu.memory_space<vmem>>, vector<128x128xf32>,
      %eq3A_901 = arith.constant 25 : i32
      %eq3A_902 = vector.broadcast %eq3A_901 : i32 to vector<128x128xi32>
      %eq3A_903 = arith.cmpi eq, %select_n3A_586, %eq3A_902 : vector<128x128xi32>
      %get3A_904 = arith.constant 0 : index
      %get3A_905 = arith.constant 3200 : index
      %get3A_906 = vector.load %arg4[%get3A_904, %get3A_905] : memref<128x8192xf32, #tpu.memory_space<vmem>>, vector<128x128xf32>
      %jit3A_907 = arith.constant 0x7F800000 : f32
      %broadcast_in_dim3A_908 = vector.broadcast %jit3A_907 : f32 to vector<128x128xf32>
      %select_n3A_909 = arith.select %eq3A_903, %broadcast_in_dim3A_908, %get3A_906 : vector<128x128xi1>, vector<128x128xf32>
      %swap3A_910 = arith.constant 0 : index
      %swap3A_911 = arith.constant 3200 : index
      %swap3A_912 = vector.load %arg4[%swap3A_910, %swap3A_911] : memref<128x8192xf32, #tpu.memory_space<vmem>>, vector<128x128xf32>
      tpu.vector_store %arg4[%swap3A_910, %swap3A_911], %select_n3A_909 {strides = array<i32>} : memref<128x8192xf32, #tpu.memory_space<vmem>>, vector<128x128xf32>,
      %eq3A_913 = arith.constant 26 : i32
      %eq3A_914 = vector.broadcast %eq3A_913 : i32 to vector<128x128xi32>
      %eq3A_915 = arith.cmpi eq, %select_n3A_586, %eq3A_914 : vector<128x128xi32>
      %get3A_916 = arith.constant 0 : index
      %get3A_917 = arith.constant 3328 : index
      %get3A_918 = vector.load %arg4[%get3A_916, %get3A_917] : memref<128x8192xf32, #tpu.memory_space<vmem>>, vector<128x128xf32>
      %jit3A_919 = arith.constant 0x7F800000 : f32
      %broadcast_in_dim3A_920 = vector.broadcast %jit3A_919 : f32 to vector<128x128xf32>
      %select_n3A_921 = arith.select %eq3A_915, %broadcast_in_dim3A_920, %get3A_918 : vector<128x128xi1>, vector<128x128xf32>
      %swap3A_922 = arith.constant 0 : index
      %swap3A_923 = arith.constant 3328 : index
      %swap3A_924 = vector.load %arg4[%swap3A_922, %swap3A_923] : memref<128x8192xf32, #tpu.memory_space<vmem>>, vector<128x128xf32>
      tpu.vector_store %arg4[%swap3A_922, %swap3A_923], %select_n3A_921 {strides = array<i32>} : memref<128x8192xf32, #tpu.memory_space<vmem>>, vector<128x128xf32>,
      %eq3A_925 = arith.constant 27 : i32
      %eq3A_926 = vector.broadcast %eq3A_925 : i32 to vector<128x128xi32>
      %eq3A_927 = arith.cmpi eq, %select_n3A_586, %eq3A_926 : vector<128x128xi32>
      %get3A_928 = arith.constant 0 : index
      %get3A_929 = arith.constant 3456 : index
      %get3A_930 = vector.load %arg4[%get3A_928, %get3A_929] : memref<128x8192xf32, #tpu.memory_space<vmem>>, vector<128x128xf32>
      %jit3A_931 = arith.constant 0x7F800000 : f32
      %broadcast_in_dim3A_932 = vector.broadcast %jit3A_931 : f32 to vector<128x128xf32>
      %select_n3A_933 = arith.select %eq3A_927, %broadcast_in_dim3A_932, %get3A_930 : vector<128x128xi1>, vector<128x128xf32>
      %swap3A_934 = arith.constant 0 : index
      %swap3A_935 = arith.constant 3456 : index
      %swap3A_936 = vector.load %arg4[%swap3A_934, %swap3A_935] : memref<128x8192xf32, #tpu.memory_space<vmem>>, vector<128x128xf32>
      tpu.vector_store %arg4[%swap3A_934, %swap3A_935], %select_n3A_933 {strides = array<i32>} : memref<128x8192xf32, #tpu.memory_space<vmem>>, vector<128x128xf32>,
      %eq3A_937 = arith.constant 28 : i32
      %eq3A_938 = vector.broadcast %eq3A_937 : i32 to vector<128x128xi32>
      %eq3A_939 = arith.cmpi eq, %select_n3A_586, %eq3A_938 : vector<128x128xi32>
      %get3A_940 = arith.constant 0 : index
      %get3A_941 = arith.constant 3584 : index
      %get3A_942 = vector.load %arg4[%get3A_940, %get3A_941] : memref<128x8192xf32, #tpu.memory_space<vmem>>, vector<128x128xf32>
      %jit3A_943 = arith.constant 0x7F800000 : f32
      %broadcast_in_dim3A_944 = vector.broadcast %jit3A_943 : f32 to vector<128x128xf32>
      %select_n3A_945 = arith.select %eq3A_939, %broadcast_in_dim3A_944, %get3A_942 : vector<128x128xi1>, vector<128x128xf32>
      %swap3A_946 = arith.constant 0 : index
      %swap3A_947 = arith.constant 3584 : index
      %swap3A_948 = vector.load %arg4[%swap3A_946, %swap3A_947] : memref<128x8192xf32, #tpu.memory_space<vmem>>, vector<128x128xf32>
      tpu.vector_store %arg4[%swap3A_946, %swap3A_947], %select_n3A_945 {strides = array<i32>} : memref<128x8192xf32, #tpu.memory_space<vmem>>, vector<128x128xf32>,
      %eq3A_949 = arith.constant 29 : i32
      %eq3A_950 = vector.broadcast %eq3A_949 : i32 to vector<128x128xi32>
      %eq3A_951 = arith.cmpi eq, %select_n3A_586, %eq3A_950 : vector<128x128xi32>
      %get3A_952 = arith.constant 0 : index
      %get3A_953 = arith.constant 3712 : index
      %get3A_954 = vector.load %arg4[%get3A_952, %get3A_953] : memref<128x8192xf32, #tpu.memory_space<vmem>>, vector<128x128xf32>
      %jit3A_955 = arith.constant 0x7F800000 : f32
      %broadcast_in_dim3A_956 = vector.broadcast %jit3A_955 : f32 to vector<128x128xf32>
      %select_n3A_957 = arith.select %eq3A_951, %broadcast_in_dim3A_956, %get3A_954 : vector<128x128xi1>, vector<128x128xf32>
      %swap3A_958 = arith.constant 0 : index
      %swap3A_959 = arith.constant 3712 : index
      %swap3A_960 = vector.load %arg4[%swap3A_958, %swap3A_959] : memref<128x8192xf32, #tpu.memory_space<vmem>>, vector<128x128xf32>
      tpu.vector_store %arg4[%swap3A_958, %swap3A_959], %select_n3A_957 {strides = array<i32>} : memref<128x8192xf32, #tpu.memory_space<vmem>>, vector<128x128xf32>,
      %eq3A_961 = arith.constant 30 : i32
      %eq3A_962 = vector.broadcast %eq3A_961 : i32 to vector<128x128xi32>
      %eq3A_963 = arith.cmpi eq, %select_n3A_586, %eq3A_962 : vector<128x128xi32>
      %get3A_964 = arith.constant 0 : index
      %get3A_965 = arith.constant 3840 : index
      %get3A_966 = vector.load %arg4[%get3A_964, %get3A_965] : memref<128x8192xf32, #tpu.memory_space<vmem>>, vector<128x128xf32>
      %jit3A_967 = arith.constant 0x7F800000 : f32
      %broadcast_in_dim3A_968 = vector.broadcast %jit3A_967 : f32 to vector<128x128xf32>
      %select_n3A_969 = arith.select %eq3A_963, %broadcast_in_dim3A_968, %get3A_966 : vector<128x128xi1>, vector<128x128xf32>
      %swap3A_970 = arith.constant 0 : index
      %swap3A_971 = arith.constant 3840 : index
      %swap3A_972 = vector.load %arg4[%swap3A_970, %swap3A_971] : memref<128x8192xf32, #tpu.memory_space<vmem>>, vector<128x128xf32>
      tpu.vector_store %arg4[%swap3A_970, %swap3A_971], %select_n3A_969 {strides = array<i32>} : memref<128x8192xf32, #tpu.memory_space<vmem>>, vector<128x128xf32>,
      %eq3A_973 = arith.constant 31 : i32
      %eq3A_974 = vector.broadcast %eq3A_973 : i32 to vector<128x128xi32>
      %eq3A_975 = arith.cmpi eq, %select_n3A_586, %eq3A_974 : vector<128x128xi32>
      %get3A_976 = arith.constant 0 : index
      %get3A_977 = arith.constant 3968 : index
      %get3A_978 = vector.load %arg4[%get3A_976, %get3A_977] : memref<128x8192xf32, #tpu.memory_space<vmem>>, vector<128x128xf32>
      %jit3A_979 = arith.constant 0x7F800000 : f32
      %broadcast_in_dim3A_980 = vector.broadcast %jit3A_979 : f32 to vector<128x128xf32>
      %select_n3A_981 = arith.select %eq3A_975, %broadcast_in_dim3A_980, %get3A_978 : vector<128x128xi1>, vector<128x128xf32>
      %swap3A_982 = arith.constant 0 : index
      %swap3A_983 = arith.constant 3968 : index
      %swap3A_984 = vector.load %arg4[%swap3A_982, %swap3A_983] : memref<128x8192xf32, #tpu.memory_space<vmem>>, vector<128x128xf32>
      tpu.vector_store %arg4[%swap3A_982, %swap3A_983], %select_n3A_981 {strides = array<i32>} : memref<128x8192xf32, #tpu.memory_space<vmem>>, vector<128x128xf32>,
      %eq3A_985 = arith.constant 32 : i32
      %eq3A_986 = vector.broadcast %eq3A_985 : i32 to vector<128x128xi32>
      %eq3A_987 = arith.cmpi eq, %select_n3A_586, %eq3A_986 : vector<128x128xi32>
      %get3A_988 = arith.constant 0 : index
      %get3A_989 = arith.constant 4096 : index
      %get3A_990 = vector.load %arg4[%get3A_988, %get3A_989] : memref<128x8192xf32, #tpu.memory_space<vmem>>, vector<128x128xf32>
      %jit3A_991 = arith.constant 0x7F800000 : f32
      %broadcast_in_dim3A_992 = vector.broadcast %jit3A_991 : f32 to vector<128x128xf32>
      %select_n3A_993 = arith.select %eq3A_987, %broadcast_in_dim3A_992, %get3A_990 : vector<128x128xi1>, vector<128x128xf32>
      %swap3A_994 = arith.constant 0 : index
      %swap3A_995 = arith.constant 4096 : index
      %swap3A_996 = vector.load %arg4[%swap3A_994, %swap3A_995] : memref<128x8192xf32, #tpu.memory_space<vmem>>, vector<128x128xf32>
      tpu.vector_store %arg4[%swap3A_994, %swap3A_995], %select_n3A_993 {strides = array<i32>} : memref<128x8192xf32, #tpu.memory_space<vmem>>, vector<128x128xf32>,
      %eq3A_997 = arith.constant 33 : i32
      %eq3A_998 = vector.broadcast %eq3A_997 : i32 to vector<128x128xi32>
      %eq3A_999 = arith.cmpi eq, %select_n3A_586, %eq3A_998 : vector<128x128xi32>
      %get3A_1000 = arith.constant 0 : index
      %get3A_1001 = arith.constant 4224 : index
      %get3A_1002 = vector.load %arg4[%get3A_1000, %get3A_1001] : memref<128x8192xf32, #tpu.memory_space<vmem>>, vector<128x128xf32>
      %jit3A_1003 = arith.constant 0x7F800000 : f32
      %broadcast_in_dim3A_1004 = vector.broadcast %jit3A_1003 : f32 to vector<128x128xf32>
      %select_n3A_1005 = arith.select %eq3A_999, %broadcast_in_dim3A_1004, %get3A_1002 : vector<128x128xi1>, vector<128x128xf32>
      %swap3A_1006 = arith.constant 0 : index
      %swap3A_1007 = arith.constant 4224 : index
      %swap3A_1008 = vector.load %arg4[%swap3A_1006, %swap3A_1007] : memref<128x8192xf32, #tpu.memory_space<vmem>>, vector<128x128xf32>
      tpu.vector_store %arg4[%swap3A_1006, %swap3A_1007], %select_n3A_1005 {strides = array<i32>} : memref<128x8192xf32, #tpu.memory_space<vmem>>, vector<128x128xf32>,
      %eq3A_1009 = arith.constant 34 : i32
      %eq3A_1010 = vector.broadcast %eq3A_1009 : i32 to vector<128x128xi32>
      %eq3A_1011 = arith.cmpi eq, %select_n3A_586, %eq3A_1010 : vector<128x128xi32>
      %get3A_1012 = arith.constant 0 : index
      %get3A_1013 = arith.constant 4352 : index
      %get3A_1014 = vector.load %arg4[%get3A_1012, %get3A_1013] : memref<128x8192xf32, #tpu.memory_space<vmem>>, vector<128x128xf32>
      %jit3A_1015 = arith.constant 0x7F800000 : f32
      %broadcast_in_dim3A_1016 = vector.broadcast %jit3A_1015 : f32 to vector<128x128xf32>
      %select_n3A_1017 = arith.select %eq3A_1011, %broadcast_in_dim3A_1016, %get3A_1014 : vector<128x128xi1>, vector<128x128xf32>
      %swap3A_1018 = arith.constant 0 : index
      %swap3A_1019 = arith.constant 4352 : index
      %swap3A_1020 = vector.load %arg4[%swap3A_1018, %swap3A_1019] : memref<128x8192xf32, #tpu.memory_space<vmem>>, vector<128x128xf32>
      tpu.vector_store %arg4[%swap3A_1018, %swap3A_1019], %select_n3A_1017 {strides = array<i32>} : memref<128x8192xf32, #tpu.memory_space<vmem>>, vector<128x128xf32>,
      %eq3A_1021 = arith.constant 35 : i32
      %eq3A_1022 = vector.broadcast %eq3A_1021 : i32 to vector<128x128xi32>
      %eq3A_1023 = arith.cmpi eq, %select_n3A_586, %eq3A_1022 : vector<128x128xi32>
      %get3A_1024 = arith.constant 0 : index
      %get3A_1025 = arith.constant 4480 : index
      %get3A_1026 = vector.load %arg4[%get3A_1024, %get3A_1025] : memref<128x8192xf32, #tpu.memory_space<vmem>>, vector<128x128xf32>
      %jit3A_1027 = arith.constant 0x7F800000 : f32
      %broadcast_in_dim3A_1028 = vector.broadcast %jit3A_1027 : f32 to vector<128x128xf32>
      %select_n3A_1029 = arith.select %eq3A_1023, %broadcast_in_dim3A_1028, %get3A_1026 : vector<128x128xi1>, vector<128x128xf32>
      %swap3A_1030 = arith.constant 0 : index
      %swap3A_1031 = arith.constant 4480 : index
      %swap3A_1032 = vector.load %arg4[%swap3A_1030, %swap3A_1031] : memref<128x8192xf32, #tpu.memory_space<vmem>>, vector<128x128xf32>
      tpu.vector_store %arg4[%swap3A_1030, %swap3A_1031], %select_n3A_1029 {strides = array<i32>} : memref<128x8192xf32, #tpu.memory_space<vmem>>, vector<128x128xf32>,
      %eq3A_1033 = arith.constant 36 : i32
      %eq3A_1034 = vector.broadcast %eq3A_1033 : i32 to vector<128x128xi32>
      %eq3A_1035 = arith.cmpi eq, %select_n3A_586, %eq3A_1034 : vector<128x128xi32>
      %get3A_1036 = arith.constant 0 : index
      %get3A_1037 = arith.constant 4608 : index
      %get3A_1038 = vector.load %arg4[%get3A_1036, %get3A_1037] : memref<128x8192xf32, #tpu.memory_space<vmem>>, vector<128x128xf32>
      %jit3A_1039 = arith.constant 0x7F800000 : f32
      %broadcast_in_dim3A_1040 = vector.broadcast %jit3A_1039 : f32 to vector<128x128xf32>
      %select_n3A_1041 = arith.select %eq3A_1035, %broadcast_in_dim3A_1040, %get3A_1038 : vector<128x128xi1>, vector<128x128xf32>
      %swap3A_1042 = arith.constant 0 : index
      %swap3A_1043 = arith.constant 4608 : index
      %swap3A_1044 = vector.load %arg4[%swap3A_1042, %swap3A_1043] : memref<128x8192xf32, #tpu.memory_space<vmem>>, vector<128x128xf32>
      tpu.vector_store %arg4[%swap3A_1042, %swap3A_1043], %select_n3A_1041 {strides = array<i32>} : memref<128x8192xf32, #tpu.memory_space<vmem>>, vector<128x128xf32>,
      %eq3A_1045 = arith.constant 37 : i32
      %eq3A_1046 = vector.broadcast %eq3A_1045 : i32 to vector<128x128xi32>
      %eq3A_1047 = arith.cmpi eq, %select_n3A_586, %eq3A_1046 : vector<128x128xi32>
      %get3A_1048 = arith.constant 0 : index
      %get3A_1049 = arith.constant 4736 : index
      %get3A_1050 = vector.load %arg4[%get3A_1048, %get3A_1049] : memref<128x8192xf32, #tpu.memory_space<vmem>>, vector<128x128xf32>
      %jit3A_1051 = arith.constant 0x7F800000 : f32
      %broadcast_in_dim3A_1052 = vector.broadcast %jit3A_1051 : f32 to vector<128x128xf32>
      %select_n3A_1053 = arith.select %eq3A_1047, %broadcast_in_dim3A_1052, %get3A_1050 : vector<128x128xi1>, vector<128x128xf32>
      %swap3A_1054 = arith.constant 0 : index
      %swap3A_1055 = arith.constant 4736 : index
      %swap3A_1056 = vector.load %arg4[%swap3A_1054, %swap3A_1055] : memref<128x8192xf32, #tpu.memory_space<vmem>>, vector<128x128xf32>
      tpu.vector_store %arg4[%swap3A_1054, %swap3A_1055], %select_n3A_1053 {strides = array<i32>} : memref<128x8192xf32, #tpu.memory_space<vmem>>, vector<128x128xf32>,
      %eq3A_1057 = arith.constant 38 : i32
      %eq3A_1058 = vector.broadcast %eq3A_1057 : i32 to vector<128x128xi32>
      %eq3A_1059 = arith.cmpi eq, %select_n3A_586, %eq3A_1058 : vector<128x128xi32>
      %get3A_1060 = arith.constant 0 : index
      %get3A_1061 = arith.constant 4864 : index
      %get3A_1062 = vector.load %arg4[%get3A_1060, %get3A_1061] : memref<128x8192xf32, #tpu.memory_space<vmem>>, vector<128x128xf32>
      %jit3A_1063 = arith.constant 0x7F800000 : f32
      %broadcast_in_dim3A_1064 = vector.broadcast %jit3A_1063 : f32 to vector<128x128xf32>
      %select_n3A_1065 = arith.select %eq3A_1059, %broadcast_in_dim3A_1064, %get3A_1062 : vector<128x128xi1>, vector<128x128xf32>
      %swap3A_1066 = arith.constant 0 : index
      %swap3A_1067 = arith.constant 4864 : index
      %swap3A_1068 = vector.load %arg4[%swap3A_1066, %swap3A_1067] : memref<128x8192xf32, #tpu.memory_space<vmem>>, vector<128x128xf32>
      tpu.vector_store %arg4[%swap3A_1066, %swap3A_1067], %select_n3A_1065 {strides = array<i32>} : memref<128x8192xf32, #tpu.memory_space<vmem>>, vector<128x128xf32>,
      %eq3A_1069 = arith.constant 39 : i32
      %eq3A_1070 = vector.broadcast %eq3A_1069 : i32 to vector<128x128xi32>
      %eq3A_1071 = arith.cmpi eq, %select_n3A_586, %eq3A_1070 : vector<128x128xi32>
      %get3A_1072 = arith.constant 0 : index
      %get3A_1073 = arith.constant 4992 : index
      %get3A_1074 = vector.load %arg4[%get3A_1072, %get3A_1073] : memref<128x8192xf32, #tpu.memory_space<vmem>>, vector<128x128xf32>
      %jit3A_1075 = arith.constant 0x7F800000 : f32
      %broadcast_in_dim3A_1076 = vector.broadcast %jit3A_1075 : f32 to vector<128x128xf32>
      %select_n3A_1077 = arith.select %eq3A_1071, %broadcast_in_dim3A_1076, %get3A_1074 : vector<128x128xi1>, vector<128x128xf32>
      %swap3A_1078 = arith.constant 0 : index
      %swap3A_1079 = arith.constant 4992 : index
      %swap3A_1080 = vector.load %arg4[%swap3A_1078, %swap3A_1079] : memref<128x8192xf32, #tpu.memory_space<vmem>>, vector<128x128xf32>
      tpu.vector_store %arg4[%swap3A_1078, %swap3A_1079], %select_n3A_1077 {strides = array<i32>} : memref<128x8192xf32, #tpu.memory_space<vmem>>, vector<128x128xf32>,
      %eq3A_1081 = arith.constant 40 : i32
      %eq3A_1082 = vector.broadcast %eq3A_1081 : i32 to vector<128x128xi32>
      %eq3A_1083 = arith.cmpi eq, %select_n3A_586, %eq3A_1082 : vector<128x128xi32>
      %get3A_1084 = arith.constant 0 : index
      %get3A_1085 = arith.constant 5120 : index
      %get3A_1086 = vector.load %arg4[%get3A_1084, %get3A_1085] : memref<128x8192xf32, #tpu.memory_space<vmem>>, vector<128x128xf32>
      %jit3A_1087 = arith.constant 0x7F800000 : f32
      %broadcast_in_dim3A_1088 = vector.broadcast %jit3A_1087 : f32 to vector<128x128xf32>
      %select_n3A_1089 = arith.select %eq3A_1083, %broadcast_in_dim3A_1088, %get3A_1086 : vector<128x128xi1>, vector<128x128xf32>
      %swap3A_1090 = arith.constant 0 : index
      %swap3A_1091 = arith.constant 5120 : index
      %swap3A_1092 = vector.load %arg4[%swap3A_1090, %swap3A_1091] : memref<128x8192xf32, #tpu.memory_space<vmem>>, vector<128x128xf32>
      tpu.vector_store %arg4[%swap3A_1090, %swap3A_1091], %select_n3A_1089 {strides = array<i32>} : memref<128x8192xf32, #tpu.memory_space<vmem>>, vector<128x128xf32>,
      %eq3A_1093 = arith.constant 41 : i32
      %eq3A_1094 = vector.broadcast %eq3A_1093 : i32 to vector<128x128xi32>
      %eq3A_1095 = arith.cmpi eq, %select_n3A_586, %eq3A_1094 : vector<128x128xi32>
      %get3A_1096 = arith.constant 0 : index
      %get3A_1097 = arith.constant 5248 : index
      %get3A_1098 = vector.load %arg4[%get3A_1096, %get3A_1097] : memref<128x8192xf32, #tpu.memory_space<vmem>>, vector<128x128xf32>
      %jit3A_1099 = arith.constant 0x7F800000 : f32
      %broadcast_in_dim3A_1100 = vector.broadcast %jit3A_1099 : f32 to vector<128x128xf32>
      %select_n3A_1101 = arith.select %eq3A_1095, %broadcast_in_dim3A_1100, %get3A_1098 : vector<128x128xi1>, vector<128x128xf32>
      %swap3A_1102 = arith.constant 0 : index
      %swap3A_1103 = arith.constant 5248 : index
      %swap3A_1104 = vector.load %arg4[%swap3A_1102, %swap3A_1103] : memref<128x8192xf32, #tpu.memory_space<vmem>>, vector<128x128xf32>
      tpu.vector_store %arg4[%swap3A_1102, %swap3A_1103], %select_n3A_1101 {strides = array<i32>} : memref<128x8192xf32, #tpu.memory_space<vmem>>, vector<128x128xf32>,
      %eq3A_1105 = arith.constant 42 : i32
      %eq3A_1106 = vector.broadcast %eq3A_1105 : i32 to vector<128x128xi32>
      %eq3A_1107 = arith.cmpi eq, %select_n3A_586, %eq3A_1106 : vector<128x128xi32>
      %get3A_1108 = arith.constant 0 : index
      %get3A_1109 = arith.constant 5376 : index
      %get3A_1110 = vector.load %arg4[%get3A_1108, %get3A_1109] : memref<128x8192xf32, #tpu.memory_space<vmem>>, vector<128x128xf32>
      %jit3A_1111 = arith.constant 0x7F800000 : f32
      %broadcast_in_dim3A_1112 = vector.broadcast %jit3A_1111 : f32 to vector<128x128xf32>
      %select_n3A_1113 = arith.select %eq3A_1107, %broadcast_in_dim3A_1112, %get3A_1110 : vector<128x128xi1>, vector<128x128xf32>
      %swap3A_1114 = arith.constant 0 : index
      %swap3A_1115 = arith.constant 5376 : index
      %swap3A_1116 = vector.load %arg4[%swap3A_1114, %swap3A_1115] : memref<128x8192xf32, #tpu.memory_space<vmem>>, vector<128x128xf32>
      tpu.vector_store %arg4[%swap3A_1114, %swap3A_1115], %select_n3A_1113 {strides = array<i32>} : memref<128x8192xf32, #tpu.memory_space<vmem>>, vector<128x128xf32>,
      %eq3A_1117 = arith.constant 43 : i32
      %eq3A_1118 = vector.broadcast %eq3A_1117 : i32 to vector<128x128xi32>
      %eq3A_1119 = arith.cmpi eq, %select_n3A_586, %eq3A_1118 : vector<128x128xi32>
      %get3A_1120 = arith.constant 0 : index
      %get3A_1121 = arith.constant 5504 : index
      %get3A_1122 = vector.load %arg4[%get3A_1120, %get3A_1121] : memref<128x8192xf32, #tpu.memory_space<vmem>>, vector<128x128xf32>
      %jit3A_1123 = arith.constant 0x7F800000 : f32
      %broadcast_in_dim3A_1124 = vector.broadcast %jit3A_1123 : f32 to vector<128x128xf32>
      %select_n3A_1125 = arith.select %eq3A_1119, %broadcast_in_dim3A_1124, %get3A_1122 : vector<128x128xi1>, vector<128x128xf32>
      %swap3A_1126 = arith.constant 0 : index
      %swap3A_1127 = arith.constant 5504 : index
      %swap3A_1128 = vector.load %arg4[%swap3A_1126, %swap3A_1127] : memref<128x8192xf32, #tpu.memory_space<vmem>>, vector<128x128xf32>
      tpu.vector_store %arg4[%swap3A_1126, %swap3A_1127], %select_n3A_1125 {strides = array<i32>} : memref<128x8192xf32, #tpu.memory_space<vmem>>, vector<128x128xf32>,
      %eq3A_1129 = arith.constant 44 : i32
      %eq3A_1130 = vector.broadcast %eq3A_1129 : i32 to vector<128x128xi32>
      %eq3A_1131 = arith.cmpi eq, %select_n3A_586, %eq3A_1130 : vector<128x128xi32>
      %get3A_1132 = arith.constant 0 : index
      %get3A_1133 = arith.constant 5632 : index
      %get3A_1134 = vector.load %arg4[%get3A_1132, %get3A_1133] : memref<128x8192xf32, #tpu.memory_space<vmem>>, vector<128x128xf32>
      %jit3A_1135 = arith.constant 0x7F800000 : f32
      %broadcast_in_dim3A_1136 = vector.broadcast %jit3A_1135 : f32 to vector<128x128xf32>
      %select_n3A_1137 = arith.select %eq3A_1131, %broadcast_in_dim3A_1136, %get3A_1134 : vector<128x128xi1>, vector<128x128xf32>
      %swap3A_1138 = arith.constant 0 : index
      %swap3A_1139 = arith.constant 5632 : index
      %swap3A_1140 = vector.load %arg4[%swap3A_1138, %swap3A_1139] : memref<128x8192xf32, #tpu.memory_space<vmem>>, vector<128x128xf32>
      tpu.vector_store %arg4[%swap3A_1138, %swap3A_1139], %select_n3A_1137 {strides = array<i32>} : memref<128x8192xf32, #tpu.memory_space<vmem>>, vector<128x128xf32>,
      %eq3A_1141 = arith.constant 45 : i32
      %eq3A_1142 = vector.broadcast %eq3A_1141 : i32 to vector<128x128xi32>
      %eq3A_1143 = arith.cmpi eq, %select_n3A_586, %eq3A_1142 : vector<128x128xi32>
      %get3A_1144 = arith.constant 0 : index
      %get3A_1145 = arith.constant 5760 : index
      %get3A_1146 = vector.load %arg4[%get3A_1144, %get3A_1145] : memref<128x8192xf32, #tpu.memory_space<vmem>>, vector<128x128xf32>
      %jit3A_1147 = arith.constant 0x7F800000 : f32
      %broadcast_in_dim3A_1148 = vector.broadcast %jit3A_1147 : f32 to vector<128x128xf32>
      %select_n3A_1149 = arith.select %eq3A_1143, %broadcast_in_dim3A_1148, %get3A_1146 : vector<128x128xi1>, vector<128x128xf32>
      %swap3A_1150 = arith.constant 0 : index
      %swap3A_1151 = arith.constant 5760 : index
      %swap3A_1152 = vector.load %arg4[%swap3A_1150, %swap3A_1151] : memref<128x8192xf32, #tpu.memory_space<vmem>>, vector<128x128xf32>
      tpu.vector_store %arg4[%swap3A_1150, %swap3A_1151], %select_n3A_1149 {strides = array<i32>} : memref<128x8192xf32, #tpu.memory_space<vmem>>, vector<128x128xf32>,
      %eq3A_1153 = arith.constant 46 : i32
      %eq3A_1154 = vector.broadcast %eq3A_1153 : i32 to vector<128x128xi32>
      %eq3A_1155 = arith.cmpi eq, %select_n3A_586, %eq3A_1154 : vector<128x128xi32>
      %get3A_1156 = arith.constant 0 : index
      %get3A_1157 = arith.constant 5888 : index
      %get3A_1158 = vector.load %arg4[%get3A_1156, %get3A_1157] : memref<128x8192xf32, #tpu.memory_space<vmem>>, vector<128x128xf32>
      %jit3A_1159 = arith.constant 0x7F800000 : f32
      %broadcast_in_dim3A_1160 = vector.broadcast %jit3A_1159 : f32 to vector<128x128xf32>
      %select_n3A_1161 = arith.select %eq3A_1155, %broadcast_in_dim3A_1160, %get3A_1158 : vector<128x128xi1>, vector<128x128xf32>
      %swap3A_1162 = arith.constant 0 : index
      %swap3A_1163 = arith.constant 5888 : index
      %swap3A_1164 = vector.load %arg4[%swap3A_1162, %swap3A_1163] : memref<128x8192xf32, #tpu.memory_space<vmem>>, vector<128x128xf32>
      tpu.vector_store %arg4[%swap3A_1162, %swap3A_1163], %select_n3A_1161 {strides = array<i32>} : memref<128x8192xf32, #tpu.memory_space<vmem>>, vector<128x128xf32>,
      %eq3A_1165 = arith.constant 47 : i32
      %eq3A_1166 = vector.broadcast %eq3A_1165 : i32 to vector<128x128xi32>
      %eq3A_1167 = arith.cmpi eq, %select_n3A_586, %eq3A_1166 : vector<128x128xi32>
      %get3A_1168 = arith.constant 0 : index
      %get3A_1169 = arith.constant 6016 : index
      %get3A_1170 = vector.load %arg4[%get3A_1168, %get3A_1169] : memref<128x8192xf32, #tpu.memory_space<vmem>>, vector<128x128xf32>
      %jit3A_1171 = arith.constant 0x7F800000 : f32
      %broadcast_in_dim3A_1172 = vector.broadcast %jit3A_1171 : f32 to vector<128x128xf32>
      %select_n3A_1173 = arith.select %eq3A_1167, %broadcast_in_dim3A_1172, %get3A_1170 : vector<128x128xi1>, vector<128x128xf32>
      %swap3A_1174 = arith.constant 0 : index
      %swap3A_1175 = arith.constant 6016 : index
      %swap3A_1176 = vector.load %arg4[%swap3A_1174, %swap3A_1175] : memref<128x8192xf32, #tpu.memory_space<vmem>>, vector<128x128xf32>
      tpu.vector_store %arg4[%swap3A_1174, %swap3A_1175], %select_n3A_1173 {strides = array<i32>} : memref<128x8192xf32, #tpu.memory_space<vmem>>, vector<128x128xf32>,
      %eq3A_1177 = arith.constant 48 : i32
      %eq3A_1178 = vector.broadcast %eq3A_1177 : i32 to vector<128x128xi32>
      %eq3A_1179 = arith.cmpi eq, %select_n3A_586, %eq3A_1178 : vector<128x128xi32>
      %get3A_1180 = arith.constant 0 : index
      %get3A_1181 = arith.constant 6144 : index
      %get3A_1182 = vector.load %arg4[%get3A_1180, %get3A_1181] : memref<128x8192xf32, #tpu.memory_space<vmem>>, vector<128x128xf32>
      %jit3A_1183 = arith.constant 0x7F800000 : f32
      %broadcast_in_dim3A_1184 = vector.broadcast %jit3A_1183 : f32 to vector<128x128xf32>
      %select_n3A_1185 = arith.select %eq3A_1179, %broadcast_in_dim3A_1184, %get3A_1182 : vector<128x128xi1>, vector<128x128xf32>
      %swap3A_1186 = arith.constant 0 : index
      %swap3A_1187 = arith.constant 6144 : index
      %swap3A_1188 = vector.load %arg4[%swap3A_1186, %swap3A_1187] : memref<128x8192xf32, #tpu.memory_space<vmem>>, vector<128x128xf32>
      tpu.vector_store %arg4[%swap3A_1186, %swap3A_1187], %select_n3A_1185 {strides = array<i32>} : memref<128x8192xf32, #tpu.memory_space<vmem>>, vector<128x128xf32>,
      %eq3A_1189 = arith.constant 49 : i32
      %eq3A_1190 = vector.broadcast %eq3A_1189 : i32 to vector<128x128xi32>
      %eq3A_1191 = arith.cmpi eq, %select_n3A_586, %eq3A_1190 : vector<128x128xi32>
      %get3A_1192 = arith.constant 0 : index
      %get3A_1193 = arith.constant 6272 : index
      %get3A_1194 = vector.load %arg4[%get3A_1192, %get3A_1193] : memref<128x8192xf32, #tpu.memory_space<vmem>>, vector<128x128xf32>
      %jit3A_1195 = arith.constant 0x7F800000 : f32
      %broadcast_in_dim3A_1196 = vector.broadcast %jit3A_1195 : f32 to vector<128x128xf32>
      %select_n3A_1197 = arith.select %eq3A_1191, %broadcast_in_dim3A_1196, %get3A_1194 : vector<128x128xi1>, vector<128x128xf32>
      %swap3A_1198 = arith.constant 0 : index
      %swap3A_1199 = arith.constant 6272 : index
      %swap3A_1200 = vector.load %arg4[%swap3A_1198, %swap3A_1199] : memref<128x8192xf32, #tpu.memory_space<vmem>>, vector<128x128xf32>
      tpu.vector_store %arg4[%swap3A_1198, %swap3A_1199], %select_n3A_1197 {strides = array<i32>} : memref<128x8192xf32, #tpu.memory_space<vmem>>, vector<128x128xf32>,
      %eq3A_1201 = arith.constant 50 : i32
      %eq3A_1202 = vector.broadcast %eq3A_1201 : i32 to vector<128x128xi32>
      %eq3A_1203 = arith.cmpi eq, %select_n3A_586, %eq3A_1202 : vector<128x128xi32>
      %get3A_1204 = arith.constant 0 : index
      %get3A_1205 = arith.constant 6400 : index
      %get3A_1206 = vector.load %arg4[%get3A_1204, %get3A_1205] : memref<128x8192xf32, #tpu.memory_space<vmem>>, vector<128x128xf32>
      %jit3A_1207 = arith.constant 0x7F800000 : f32
      %broadcast_in_dim3A_1208 = vector.broadcast %jit3A_1207 : f32 to vector<128x128xf32>
      %select_n3A_1209 = arith.select %eq3A_1203, %broadcast_in_dim3A_1208, %get3A_1206 : vector<128x128xi1>, vector<128x128xf32>
      %swap3A_1210 = arith.constant 0 : index
      %swap3A_1211 = arith.constant 6400 : index
      %swap3A_1212 = vector.load %arg4[%swap3A_1210, %swap3A_1211] : memref<128x8192xf32, #tpu.memory_space<vmem>>, vector<128x128xf32>
      tpu.vector_store %arg4[%swap3A_1210, %swap3A_1211], %select_n3A_1209 {strides = array<i32>} : memref<128x8192xf32, #tpu.memory_space<vmem>>, vector<128x128xf32>,
      %eq3A_1213 = arith.constant 51 : i32
      %eq3A_1214 = vector.broadcast %eq3A_1213 : i32 to vector<128x128xi32>
      %eq3A_1215 = arith.cmpi eq, %select_n3A_586, %eq3A_1214 : vector<128x128xi32>
      %get3A_1216 = arith.constant 0 : index
      %get3A_1217 = arith.constant 6528 : index
      %get3A_1218 = vector.load %arg4[%get3A_1216, %get3A_1217] : memref<128x8192xf32, #tpu.memory_space<vmem>>, vector<128x128xf32>
      %jit3A_1219 = arith.constant 0x7F800000 : f32
      %broadcast_in_dim3A_1220 = vector.broadcast %jit3A_1219 : f32 to vector<128x128xf32>
      %select_n3A_1221 = arith.select %eq3A_1215, %broadcast_in_dim3A_1220, %get3A_1218 : vector<128x128xi1>, vector<128x128xf32>
      %swap3A_1222 = arith.constant 0 : index
      %swap3A_1223 = arith.constant 6528 : index
      %swap3A_1224 = vector.load %arg4[%swap3A_1222, %swap3A_1223] : memref<128x8192xf32, #tpu.memory_space<vmem>>, vector<128x128xf32>
      tpu.vector_store %arg4[%swap3A_1222, %swap3A_1223], %select_n3A_1221 {strides = array<i32>} : memref<128x8192xf32, #tpu.memory_space<vmem>>, vector<128x128xf32>,
      %eq3A_1225 = arith.constant 52 : i32
      %eq3A_1226 = vector.broadcast %eq3A_1225 : i32 to vector<128x128xi32>
      %eq3A_1227 = arith.cmpi eq, %select_n3A_586, %eq3A_1226 : vector<128x128xi32>
      %get3A_1228 = arith.constant 0 : index
      %get3A_1229 = arith.constant 6656 : index
      %get3A_1230 = vector.load %arg4[%get3A_1228, %get3A_1229] : memref<128x8192xf32, #tpu.memory_space<vmem>>, vector<128x128xf32>
      %jit3A_1231 = arith.constant 0x7F800000 : f32
      %broadcast_in_dim3A_1232 = vector.broadcast %jit3A_1231 : f32 to vector<128x128xf32>
      %select_n3A_1233 = arith.select %eq3A_1227, %broadcast_in_dim3A_1232, %get3A_1230 : vector<128x128xi1>, vector<128x128xf32>
      %swap3A_1234 = arith.constant 0 : index
      %swap3A_1235 = arith.constant 6656 : index
      %swap3A_1236 = vector.load %arg4[%swap3A_1234, %swap3A_1235] : memref<128x8192xf32, #tpu.memory_space<vmem>>, vector<128x128xf32>
      tpu.vector_store %arg4[%swap3A_1234, %swap3A_1235], %select_n3A_1233 {strides = array<i32>} : memref<128x8192xf32, #tpu.memory_space<vmem>>, vector<128x128xf32>,
      %eq3A_1237 = arith.constant 53 : i32
      %eq3A_1238 = vector.broadcast %eq3A_1237 : i32 to vector<128x128xi32>
      %eq3A_1239 = arith.cmpi eq, %select_n3A_586, %eq3A_1238 : vector<128x128xi32>
      %get3A_1240 = arith.constant 0 : index
      %get3A_1241 = arith.constant 6784 : index
      %get3A_1242 = vector.load %arg4[%get3A_1240, %get3A_1241] : memref<128x8192xf32, #tpu.memory_space<vmem>>, vector<128x128xf32>
      %jit3A_1243 = arith.constant 0x7F800000 : f32
      %broadcast_in_dim3A_1244 = vector.broadcast %jit3A_1243 : f32 to vector<128x128xf32>
      %select_n3A_1245 = arith.select %eq3A_1239, %broadcast_in_dim3A_1244, %get3A_1242 : vector<128x128xi1>, vector<128x128xf32>
      %swap3A_1246 = arith.constant 0 : index
      %swap3A_1247 = arith.constant 6784 : index
      %swap3A_1248 = vector.load %arg4[%swap3A_1246, %swap3A_1247] : memref<128x8192xf32, #tpu.memory_space<vmem>>, vector<128x128xf32>
      tpu.vector_store %arg4[%swap3A_1246, %swap3A_1247], %select_n3A_1245 {strides = array<i32>} : memref<128x8192xf32, #tpu.memory_space<vmem>>, vector<128x128xf32>,
      %eq3A_1249 = arith.constant 54 : i32
      %eq3A_1250 = vector.broadcast %eq3A_1249 : i32 to vector<128x128xi32>
      %eq3A_1251 = arith.cmpi eq, %select_n3A_586, %eq3A_1250 : vector<128x128xi32>
      %get3A_1252 = arith.constant 0 : index
      %get3A_1253 = arith.constant 6912 : index
      %get3A_1254 = vector.load %arg4[%get3A_1252, %get3A_1253] : memref<128x8192xf32, #tpu.memory_space<vmem>>, vector<128x128xf32>
      %jit3A_1255 = arith.constant 0x7F800000 : f32
      %broadcast_in_dim3A_1256 = vector.broadcast %jit3A_1255 : f32 to vector<128x128xf32>
      %select_n3A_1257 = arith.select %eq3A_1251, %broadcast_in_dim3A_1256, %get3A_1254 : vector<128x128xi1>, vector<128x128xf32>
      %swap3A_1258 = arith.constant 0 : index
      %swap3A_1259 = arith.constant 6912 : index
      %swap3A_1260 = vector.load %arg4[%swap3A_1258, %swap3A_1259] : memref<128x8192xf32, #tpu.memory_space<vmem>>, vector<128x128xf32>
      tpu.vector_store %arg4[%swap3A_1258, %swap3A_1259], %select_n3A_1257 {strides = array<i32>} : memref<128x8192xf32, #tpu.memory_space<vmem>>, vector<128x128xf32>,
      %eq3A_1261 = arith.constant 55 : i32
      %eq3A_1262 = vector.broadcast %eq3A_1261 : i32 to vector<128x128xi32>
      %eq3A_1263 = arith.cmpi eq, %select_n3A_586, %eq3A_1262 : vector<128x128xi32>
      %get3A_1264 = arith.constant 0 : index
      %get3A_1265 = arith.constant 7040 : index
      %get3A_1266 = vector.load %arg4[%get3A_1264, %get3A_1265] : memref<128x8192xf32, #tpu.memory_space<vmem>>, vector<128x128xf32>
      %jit3A_1267 = arith.constant 0x7F800000 : f32
      %broadcast_in_dim3A_1268 = vector.broadcast %jit3A_1267 : f32 to vector<128x128xf32>
      %select_n3A_1269 = arith.select %eq3A_1263, %broadcast_in_dim3A_1268, %get3A_1266 : vector<128x128xi1>, vector<128x128xf32>
      %swap3A_1270 = arith.constant 0 : index
      %swap3A_1271 = arith.constant 7040 : index
      %swap3A_1272 = vector.load %arg4[%swap3A_1270, %swap3A_1271] : memref<128x8192xf32, #tpu.memory_space<vmem>>, vector<128x128xf32>
      tpu.vector_store %arg4[%swap3A_1270, %swap3A_1271], %select_n3A_1269 {strides = array<i32>} : memref<128x8192xf32, #tpu.memory_space<vmem>>, vector<128x128xf32>,
      %eq3A_1273 = arith.constant 56 : i32
      %eq3A_1274 = vector.broadcast %eq3A_1273 : i32 to vector<128x128xi32>
      %eq3A_1275 = arith.cmpi eq, %select_n3A_586, %eq3A_1274 : vector<128x128xi32>
      %get3A_1276 = arith.constant 0 : index
      %get3A_1277 = arith.constant 7168 : index
      %get3A_1278 = vector.load %arg4[%get3A_1276, %get3A_1277] : memref<128x8192xf32, #tpu.memory_space<vmem>>, vector<128x128xf32>
      %jit3A_1279 = arith.constant 0x7F800000 : f32
      %broadcast_in_dim3A_1280 = vector.broadcast %jit3A_1279 : f32 to vector<128x128xf32>
      %select_n3A_1281 = arith.select %eq3A_1275, %broadcast_in_dim3A_1280, %get3A_1278 : vector<128x128xi1>, vector<128x128xf32>
      %swap3A_1282 = arith.constant 0 : index
      %swap3A_1283 = arith.constant 7168 : index
      %swap3A_1284 = vector.load %arg4[%swap3A_1282, %swap3A_1283] : memref<128x8192xf32, #tpu.memory_space<vmem>>, vector<128x128xf32>
      tpu.vector_store %arg4[%swap3A_1282, %swap3A_1283], %select_n3A_1281 {strides = array<i32>} : memref<128x8192xf32, #tpu.memory_space<vmem>>, vector<128x128xf32>,
      %eq3A_1285 = arith.constant 57 : i32
      %eq3A_1286 = vector.broadcast %eq3A_1285 : i32 to vector<128x128xi32>
      %eq3A_1287 = arith.cmpi eq, %select_n3A_586, %eq3A_1286 : vector<128x128xi32>
      %get3A_1288 = arith.constant 0 : index
      %get3A_1289 = arith.constant 7296 : index
      %get3A_1290 = vector.load %arg4[%get3A_1288, %get3A_1289] : memref<128x8192xf32, #tpu.memory_space<vmem>>, vector<128x128xf32>
      %jit3A_1291 = arith.constant 0x7F800000 : f32
      %broadcast_in_dim3A_1292 = vector.broadcast %jit3A_1291 : f32 to vector<128x128xf32>
      %select_n3A_1293 = arith.select %eq3A_1287, %broadcast_in_dim3A_1292, %get3A_1290 : vector<128x128xi1>, vector<128x128xf32>
      %swap3A_1294 = arith.constant 0 : index
      %swap3A_1295 = arith.constant 7296 : index
      %swap3A_1296 = vector.load %arg4[%swap3A_1294, %swap3A_1295] : memref<128x8192xf32, #tpu.memory_space<vmem>>, vector<128x128xf32>
      tpu.vector_store %arg4[%swap3A_1294, %swap3A_1295], %select_n3A_1293 {strides = array<i32>} : memref<128x8192xf32, #tpu.memory_space<vmem>>, vector<128x128xf32>,
      %eq3A_1297 = arith.constant 58 : i32
      %eq3A_1298 = vector.broadcast %eq3A_1297 : i32 to vector<128x128xi32>
      %eq3A_1299 = arith.cmpi eq, %select_n3A_586, %eq3A_1298 : vector<128x128xi32>
      %get3A_1300 = arith.constant 0 : index
      %get3A_1301 = arith.constant 7424 : index
      %get3A_1302 = vector.load %arg4[%get3A_1300, %get3A_1301] : memref<128x8192xf32, #tpu.memory_space<vmem>>, vector<128x128xf32>
      %jit3A_1303 = arith.constant 0x7F800000 : f32
      %broadcast_in_dim3A_1304 = vector.broadcast %jit3A_1303 : f32 to vector<128x128xf32>
      %select_n3A_1305 = arith.select %eq3A_1299, %broadcast_in_dim3A_1304, %get3A_1302 : vector<128x128xi1>, vector<128x128xf32>
      %swap3A_1306 = arith.constant 0 : index
      %swap3A_1307 = arith.constant 7424 : index
      %swap3A_1308 = vector.load %arg4[%swap3A_1306, %swap3A_1307] : memref<128x8192xf32, #tpu.memory_space<vmem>>, vector<128x128xf32>
      tpu.vector_store %arg4[%swap3A_1306, %swap3A_1307], %select_n3A_1305 {strides = array<i32>} : memref<128x8192xf32, #tpu.memory_space<vmem>>, vector<128x128xf32>,
      %eq3A_1309 = arith.constant 59 : i32
      %eq3A_1310 = vector.broadcast %eq3A_1309 : i32 to vector<128x128xi32>
      %eq3A_1311 = arith.cmpi eq, %select_n3A_586, %eq3A_1310 : vector<128x128xi32>
      %get3A_1312 = arith.constant 0 : index
      %get3A_1313 = arith.constant 7552 : index
      %get3A_1314 = vector.load %arg4[%get3A_1312, %get3A_1313] : memref<128x8192xf32, #tpu.memory_space<vmem>>, vector<128x128xf32>
      %jit3A_1315 = arith.constant 0x7F800000 : f32
      %broadcast_in_dim3A_1316 = vector.broadcast %jit3A_1315 : f32 to vector<128x128xf32>
      %select_n3A_1317 = arith.select %eq3A_1311, %broadcast_in_dim3A_1316, %get3A_1314 : vector<128x128xi1>, vector<128x128xf32>
      %swap3A_1318 = arith.constant 0 : index
      %swap3A_1319 = arith.constant 7552 : index
      %swap3A_1320 = vector.load %arg4[%swap3A_1318, %swap3A_1319] : memref<128x8192xf32, #tpu.memory_space<vmem>>, vector<128x128xf32>
      tpu.vector_store %arg4[%swap3A_1318, %swap3A_1319], %select_n3A_1317 {strides = array<i32>} : memref<128x8192xf32, #tpu.memory_space<vmem>>, vector<128x128xf32>,
      %eq3A_1321 = arith.constant 60 : i32
      %eq3A_1322 = vector.broadcast %eq3A_1321 : i32 to vector<128x128xi32>
      %eq3A_1323 = arith.cmpi eq, %select_n3A_586, %eq3A_1322 : vector<128x128xi32>
      %get3A_1324 = arith.constant 0 : index
      %get3A_1325 = arith.constant 7680 : index
      %get3A_1326 = vector.load %arg4[%get3A_1324, %get3A_1325] : memref<128x8192xf32, #tpu.memory_space<vmem>>, vector<128x128xf32>
      %jit3A_1327 = arith.constant 0x7F800000 : f32
      %broadcast_in_dim3A_1328 = vector.broadcast %jit3A_1327 : f32 to vector<128x128xf32>
      %select_n3A_1329 = arith.select %eq3A_1323, %broadcast_in_dim3A_1328, %get3A_1326 : vector<128x128xi1>, vector<128x128xf32>
      %swap3A_1330 = arith.constant 0 : index
      %swap3A_1331 = arith.constant 7680 : index
      %swap3A_1332 = vector.load %arg4[%swap3A_1330, %swap3A_1331] : memref<128x8192xf32, #tpu.memory_space<vmem>>, vector<128x128xf32>
      tpu.vector_store %arg4[%swap3A_1330, %swap3A_1331], %select_n3A_1329 {strides = array<i32>} : memref<128x8192xf32, #tpu.memory_space<vmem>>, vector<128x128xf32>,
      %eq3A_1333 = arith.constant 61 : i32
      %eq3A_1334 = vector.broadcast %eq3A_1333 : i32 to vector<128x128xi32>
      %eq3A_1335 = arith.cmpi eq, %select_n3A_586, %eq3A_1334 : vector<128x128xi32>
      %get3A_1336 = arith.constant 0 : index
      %get3A_1337 = arith.constant 7808 : index
      %get3A_1338 = vector.load %arg4[%get3A_1336, %get3A_1337] : memref<128x8192xf32, #tpu.memory_space<vmem>>, vector<128x128xf32>
      %jit3A_1339 = arith.constant 0x7F800000 : f32
      %broadcast_in_dim3A_1340 = vector.broadcast %jit3A_1339 : f32 to vector<128x128xf32>
      %select_n3A_1341 = arith.select %eq3A_1335, %broadcast_in_dim3A_1340, %get3A_1338 : vector<128x128xi1>, vector<128x128xf32>
      %swap3A_1342 = arith.constant 0 : index
      %swap3A_1343 = arith.constant 7808 : index
      %swap3A_1344 = vector.load %arg4[%swap3A_1342, %swap3A_1343] : memref<128x8192xf32, #tpu.memory_space<vmem>>, vector<128x128xf32>
      tpu.vector_store %arg4[%swap3A_1342, %swap3A_1343], %select_n3A_1341 {strides = array<i32>} : memref<128x8192xf32, #tpu.memory_space<vmem>>, vector<128x128xf32>,
      %eq3A_1345 = arith.constant 62 : i32
      %eq3A_1346 = vector.broadcast %eq3A_1345 : i32 to vector<128x128xi32>
      %eq3A_1347 = arith.cmpi eq, %select_n3A_586, %eq3A_1346 : vector<128x128xi32>
      %get3A_1348 = arith.constant 0 : index
      %get3A_1349 = arith.constant 7936 : index
      %get3A_1350 = vector.load %arg4[%get3A_1348, %get3A_1349] : memref<128x8192xf32, #tpu.memory_space<vmem>>, vector<128x128xf32>
      %jit3A_1351 = arith.constant 0x7F800000 : f32
      %broadcast_in_dim3A_1352 = vector.broadcast %jit3A_1351 : f32 to vector<128x128xf32>
      %select_n3A_1353 = arith.select %eq3A_1347, %broadcast_in_dim3A_1352, %get3A_1350 : vector<128x128xi1>, vector<128x128xf32>
      %swap3A_1354 = arith.constant 0 : index
      %swap3A_1355 = arith.constant 7936 : index
      %swap3A_1356 = vector.load %arg4[%swap3A_1354, %swap3A_1355] : memref<128x8192xf32, #tpu.memory_space<vmem>>, vector<128x128xf32>
      tpu.vector_store %arg4[%swap3A_1354, %swap3A_1355], %select_n3A_1353 {strides = array<i32>} : memref<128x8192xf32, #tpu.memory_space<vmem>>, vector<128x128xf32>,
      %eq3A_1357 = arith.constant 63 : i32
      %eq3A_1358 = vector.broadcast %eq3A_1357 : i32 to vector<128x128xi32>
      %eq3A_1359 = arith.cmpi eq, %select_n3A_586, %eq3A_1358 : vector<128x128xi32>
      %get3A_1360 = arith.constant 0 : index
      %get3A_1361 = arith.constant 8064 : index
      %get3A_1362 = vector.load %arg4[%get3A_1360, %get3A_1361] : memref<128x8192xf32, #tpu.memory_space<vmem>>, vector<128x128xf32>
      %jit3A_1363 = arith.constant 0x7F800000 : f32
      %broadcast_in_dim3A_1364 = vector.broadcast %jit3A_1363 : f32 to vector<128x128xf32>
      %select_n3A_1365 = arith.select %eq3A_1359, %broadcast_in_dim3A_1364, %get3A_1362 : vector<128x128xi1>, vector<128x128xf32>
      %swap3A_1366 = arith.constant 0 : index
      %swap3A_1367 = arith.constant 8064 : index
      %swap3A_1368 = vector.load %arg4[%swap3A_1366, %swap3A_1367] : memref<128x8192xf32, #tpu.memory_space<vmem>>, vector<128x128xf32>
      tpu.vector_store %arg4[%swap3A_1366, %swap3A_1367], %select_n3A_1365 {strides = array<i32>} : memref<128x8192xf32, #tpu.memory_space<vmem>>, vector<128x128xf32>,
      %reduce_min3A = arith.constant dense<0x7F800000> : vector<128xf32>
      %reduce_min3A_1369 = vector.multi_reduction <minimumf>, %select_n3A_583, %reduce_min3A [1] : vector<128x128xf32> to vector<128xf32>
      %broadcast_in_dim3A_1370 = vector.shape_cast %reduce_min3A_1369 : vector<128xf32> to vector<128x1xf32>
      %add3A_1371 = arith.constant 1 : i32
      %add3A_1372 = arith.addi %while3A_76, %add3A_1371 : i32
      %broadcast_in_dim3A_1373 = arith.constant 0 : i32
      %broadcast_in_dim3A_1374 = vector.broadcast %broadcast_in_dim3A_1373 : i32 to vector<128x128xi32>
      %while3A_1375 = arith.constant 0 : i32
      %while3A_1376 = arith.subi %add3A_1372, %while3A_1375 : i32
      %while3A_1377 = arith.addi %while3A_1375, %while3A_1376 : i32
      %while3A_1378 = arith.constant 1 : i32
      %while3A_1379 = arith.divsi %while3A_1376, %while3A_1378 : i32
      %while3A_1380 = arith.muli %while3A_1379, %while3A_1378 : i32
      %while3A_1381 = arith.addi %while3A_1375, %while3A_1380 : i32
      %while3A_1382 = arith.constant 1 : i32
      %while3A_1383 = scf.for %while3A_1402 = %while3A_1375 to %while3A_1381 step %while3A_1382 iter_args(%while3A_1403 = %broadcast_in_dim3A_1374) -> (vector<128x128xi32>)  : i32 {
        %get3A_1404 = arith.index_cast %while3A_1402 : i32 to index
        %get3A_1405 = arith.constant 0 : index
        %get3A_1406 = arith.constant 0 : index
        %get3A_1407 = vector.load %arg5[%get3A_1404, %get3A_1405, %get3A_1406] : memref<64x128x128xf32, #tpu.memory_space<vmem>>, vector<1x128x128xf32>
        %get3A_1408 = vector.shape_cast %get3A_1407 : vector<1x128x128xf32> to vector<128x128xf32>
        %lt3A_1409 = vector.broadcast %broadcast_in_dim3A_1370 : vector<128x1xf32> to vector<128x128xf32>
        %lt3A_1410 = arith.cmpf olt, %get3A_1408, %lt3A_1409 : vector<128x128xf32>
        %convert_element_type3A = arith.extui %lt3A_1410 : vector<128x128xi1> to vector<128x128xi32>
        %add3A_1411 = arith.addi %while3A_1403, %convert_element_type3A : vector<128x128xi32>
        scf.yield %add3A_1411 : vector<128x128xi32>
      }
      %while3A_1384 = arith.constant 1 : i32
      %while3A_1385 = scf.for %while3A_1402 = %while3A_1381 to %while3A_1377 step %while3A_1384 iter_args(%while3A_1403 = %while3A_1383) -> (vector<128x128xi32>)  : i32 {
        %get3A_1404 = arith.index_cast %while3A_1402 : i32 to index
        %get3A_1405 = arith.constant 0 : index
        %get3A_1406 = arith.constant 0 : index
        %get3A_1407 = vector.load %arg5[%get3A_1404, %get3A_1405, %get3A_1406] : memref<64x128x128xf32, #tpu.memory_space<vmem>>, vector<1x128x128xf32>
        %get3A_1408 = vector.shape_cast %get3A_1407 : vector<1x128x128xf32> to vector<128x128xf32>
        %lt3A_1409 = vector.broadcast %broadcast_in_dim3A_1370 : vector<128x1xf32> to vector<128x128xf32>
        %lt3A_1410 = arith.cmpf olt, %get3A_1408, %lt3A_1409 : vector<128x128xf32>
        %convert_element_type3A = arith.extui %lt3A_1410 : vector<128x128xi1> to vector<128x128xi32>
        %add3A_1411 = arith.addi %while3A_1403, %convert_element_type3A : vector<128x128xi32>
        scf.yield %add3A_1411 : vector<128x128xi32>
      }
      %reduce_sum3A = arith.constant dense<0> : vector<128xi32>
      %reduce_sum3A_1386 = vector.multi_reduction <add>, %while3A_1385, %reduce_sum3A [1] : vector<128x128xi32> to vector<128xi32>
      %ge3A = arith.constant 32 : i32
      %ge3A_1387 = vector.broadcast %ge3A : i32 to vector<128xi32>
      %ge3A_1388 = arith.cmpi sge, %reduce_sum3A_1386, %ge3A_1387 : vector<128xi32>
      %reduce_and3A = arith.constant 1.000000e+00 : f32
      %reduce_and3A_1389 = arith.constant 0.000000e+00 : f32
      %reduce_and3A_1390 = vector.broadcast %reduce_and3A : f32 to vector<128xf32>
      %reduce_and3A_1391 = vector.broadcast %reduce_and3A_1389 : f32 to vector<128xf32>
      %reduce_and3A_1392 = arith.select %ge3A_1388, %reduce_and3A_1390, %reduce_and3A_1391 : vector<128xi1>, vector<128xf32>
      %reduce_and3A_1393 = vector.shape_cast %reduce_and3A_1392 : vector<128xf32> to vector<1x128xf32>
      %reduce_and3A_1394 = arith.constant dense<0x7F800000> : vector<1xf32>
      %reduce_and3A_1395 = vector.multi_reduction <minimumf>, %reduce_and3A_1393, %reduce_and3A_1394 [1] : vector<1x128xf32> to vector<1xf32>
      %reduce_and3A_1396 = vector.shape_cast %reduce_and3A_1395 : vector<1xf32> to vector<1x1xf32>
      %reduce_and3A_1397 = vector.extract %reduce_and3A_1396[0, 0] : f32 from vector<1x1xf32>
      %reduce_and3A_1398 = arith.constant 0.000000e+00 : f32
      %reduce_and3A_1399 = arith.cmpf ogt, %reduce_and3A_1397, %reduce_and3A_1398 : f32
      %add3A_1400 = arith.constant 1 : i32
      %add3A_1401 = arith.addi %while3A_76, %add3A_1400 : i32
      scf.yield %add3A_1401, %reduce_and3A_1399, %broadcast_in_dim3A_1370 : i32, i1, vector<128x1xf32>
    }
    %broadcast_in_dim3A_45 = arith.constant 0 : i32
    %broadcast_in_dim3A_46 = vector.broadcast %broadcast_in_dim3A_45 : i32 to vector<128x128xi32>
    %while3A_47 = arith.constant 0 : i32
    %while3A_48 = arith.subi %while3A_44#0, %while3A_47 : i32
    %while3A_49 = arith.addi %while3A_47, %while3A_48 : i32
    %while3A_50 = arith.constant 1 : i32
    %while3A_51 = arith.divsi %while3A_48, %while3A_50 : i32
    %while3A_52 = arith.muli %while3A_51, %while3A_50 : i32
    %while3A_53 = arith.addi %while3A_47, %while3A_52 : i32
    %while3A_54 = arith.constant 1 : i32
    %while3A_55 = scf.for %while3A_76 = %while3A_47 to %while3A_53 step %while3A_54 iter_args(%while3A_77 = %broadcast_in_dim3A_46) -> (vector<128x128xi32>)  : i32 {
      %get3A_78 = arith.index_cast %while3A_76 : i32 to index
      %get3A_79 = arith.constant 0 : index
      %get3A_80 = arith.constant 0 : index
      %get3A_81 = vector.load %arg5[%get3A_78, %get3A_79, %get3A_80] : memref<64x128x128xf32, #tpu.memory_space<vmem>>, vector<1x128x128xf32>
      %get3A_82 = vector.shape_cast %get3A_81 : vector<1x128x128xf32> to vector<128x128xf32>
      %lt3A = vector.broadcast %while3A_44#2 : vector<128x1xf32> to vector<128x128xf32>
      %lt3A_83 = arith.cmpf olt, %get3A_82, %lt3A : vector<128x128xf32>
      %convert_element_type3A = arith.extui %lt3A_83 : vector<128x128xi1> to vector<128x128xi32>
      %add3A_84 = arith.addi %while3A_77, %convert_element_type3A : vector<128x128xi32>
      scf.yield %add3A_84 : vector<128x128xi32>
    }
    %while3A_56 = arith.constant 1 : i32
    %while3A_57 = scf.for %while3A_76 = %while3A_53 to %while3A_49 step %while3A_56 iter_args(%while3A_77 = %while3A_55) -> (vector<128x128xi32>)  : i32 {
      %get3A_78 = arith.index_cast %while3A_76 : i32 to index
      %get3A_79 = arith.constant 0 : index
      %get3A_80 = arith.constant 0 : index
      %get3A_81 = vector.load %arg5[%get3A_78, %get3A_79, %get3A_80] : memref<64x128x128xf32, #tpu.memory_space<vmem>>, vector<1x128x128xf32>
      %get3A_82 = vector.shape_cast %get3A_81 : vector<1x128x128xf32> to vector<128x128xf32>
      %lt3A = vector.broadcast %while3A_44#2 : vector<128x1xf32> to vector<128x128xf32>
      %lt3A_83 = arith.cmpf olt, %get3A_82, %lt3A : vector<128x128xf32>
      %convert_element_type3A = arith.extui %lt3A_83 : vector<128x128xi1> to vector<128x128xi32>
      %add3A_84 = arith.addi %while3A_77, %convert_element_type3A : vector<128x128xi32>
      scf.yield %add3A_84 : vector<128x128xi32>
    }
    %reduce_max3A = vector.shape_cast %while3A_57 : vector<128x128xi32> to vector<1x128x128xi32>
    %reduce_max3A_58 = arith.constant dense<-2147483648> : vector<1xi32>
    %reduce_max3A_59 = vector.multi_reduction <maxsi>, %reduce_max3A, %reduce_max3A_58 [1, 2] : vector<1x128x128xi32> to vector<1xi32>
    %reduce_max3A_60 = vector.shape_cast %reduce_max3A_59 : vector<1xi32> to vector<1x1x1xi32>
    %reduce_max3A_61 = vector.extract %reduce_max3A_60[0, 0, 0] : i32 from vector<1x1x1xi32>
    %iota3A_62 = tpu.iota {dimensions = array<i32: 1>} : vector<128x32xi32>
    %broadcast_in_dim3A_63 = arith.constant 0 : i32
    %broadcast_in_dim3A_64 = vector.broadcast %broadcast_in_dim3A_63 : i32 to vector<128x128xi32>
    %broadcast_in_dim3A_65 = arith.constant 0 : i32
    %broadcast_in_dim3A_66 = vector.broadcast %broadcast_in_dim3A_65 : i32 to vector<128x32xi32>
    %scan3A = arith.constant 0x7F800000 : f32
    %scan3A_67 = arith.constant 0 : i32
    %scan3A_68 = arith.constant 32 : i32
    %scan3A_69 = arith.addi %scan3A_67, %scan3A_68 : i32
    %scan3A_70 = arith.constant 1 : i32
    %scan3A_71:2 = scf.for %scan3A_76 = %scan3A_67 to %scan3A_69 step %scan3A_70 iter_args(%scan3A_77 = %broadcast_in_dim3A_64, %scan3A_78 = %broadcast_in_dim3A_66) -> (vector<128x128xi32>, vector<128x32xi32>)  : i32 {
      %broadcast_in_dim3A_79 = vector.broadcast %scan3A : f32 to vector<128x128xf32>
      %broadcast_in_dim3A_80 = arith.constant 8192 : i32
      %broadcast_in_dim3A_81 = vector.broadcast %broadcast_in_dim3A_80 : i32 to vector<128x128xi32>
      %while3A_82 = arith.constant 0 : i32
      %while3A_83 = arith.subi %reduce_max3A_61, %while3A_82 : i32
      %while3A_84 = arith.addi %while3A_82, %while3A_83 : i32
      %while3A_85 = arith.constant 1 : i32
      %while3A_86 = arith.divsi %while3A_83, %while3A_85 : i32
      %while3A_87 = arith.muli %while3A_86, %while3A_85 : i32
      %while3A_88 = arith.addi %while3A_82, %while3A_87 : i32
      %while3A_89 = arith.constant 1 : i32
      %while3A_90:2 = scf.for %while3A_113 = %while3A_82 to %while3A_88 step %while3A_89 iter_args(%while3A_114 = %broadcast_in_dim3A_79, %while3A_115 = %broadcast_in_dim3A_81) -> (vector<128x128xf32>, vector<128x128xi32>)  : i32 {
        %eq3A_116 = vector.broadcast %while3A_113 : i32 to vector<128x128xi32>
        %eq3A_117 = arith.cmpi eq, %scan3A_77, %eq3A_116 : vector<128x128xi32>
        %get3A_118 = arith.index_cast %while3A_113 : i32 to index
        %get3A_119 = arith.constant 0 : index
        %get3A_120 = arith.constant 0 : index
        %get3A_121 = vector.load %arg5[%get3A_118, %get3A_119, %get3A_120] : memref<64x128x128xf32, #tpu.memory_space<vmem>>, vector<1x128x128xf32>
        %get3A_122 = vector.shape_cast %get3A_121 : vector<1x128x128xf32> to vector<128x128xf32>
        %select_n3A_123 = arith.select %eq3A_117, %get3A_122, %while3A_114 : vector<128x128xi1>, vector<128x128xf32>
        %get3A_124 = arith.index_cast %while3A_113 : i32 to index
        %get3A_125 = arith.constant 0 : index
        %get3A_126 = arith.constant 0 : index
        %get3A_127 = vector.load %arg6[%get3A_124, %get3A_125, %get3A_126] : memref<64x128x128xi32, #tpu.memory_space<vmem>>, vector<1x128x128xi32>
        %get3A_128 = vector.shape_cast %get3A_127 : vector<1x128x128xi32> to vector<128x128xi32>
        %select_n3A_129 = arith.select %eq3A_117, %get3A_128, %while3A_115 : vector<128x128xi1>, vector<128x128xi32>
        scf.yield %select_n3A_123, %select_n3A_129 : vector<128x128xf32>, vector<128x128xi32>
      }
      %while3A_91 = arith.constant 1 : i32
      %while3A_92:2 = scf.for %while3A_113 = %while3A_88 to %while3A_84 step %while3A_91 iter_args(%while3A_114 = %while3A_90#0, %while3A_115 = %while3A_90#1) -> (vector<128x128xf32>, vector<128x128xi32>)  : i32 {
        %eq3A_116 = vector.broadcast %while3A_113 : i32 to vector<128x128xi32>
        %eq3A_117 = arith.cmpi eq, %scan3A_77, %eq3A_116 : vector<128x128xi32>
        %get3A_118 = arith.index_cast %while3A_113 : i32 to index
        %get3A_119 = arith.constant 0 : index
        %get3A_120 = arith.constant 0 : index
        %get3A_121 = vector.load %arg5[%get3A_118, %get3A_119, %get3A_120] : memref<64x128x128xf32, #tpu.memory_space<vmem>>, vector<1x128x128xf32>
        %get3A_122 = vector.shape_cast %get3A_121 : vector<1x128x128xf32> to vector<128x128xf32>
        %select_n3A_123 = arith.select %eq3A_117, %get3A_122, %while3A_114 : vector<128x128xi1>, vector<128x128xf32>
        %get3A_124 = arith.index_cast %while3A_113 : i32 to index
        %get3A_125 = arith.constant 0 : index
        %get3A_126 = arith.constant 0 : index
        %get3A_127 = vector.load %arg6[%get3A_124, %get3A_125, %get3A_126] : memref<64x128x128xi32, #tpu.memory_space<vmem>>, vector<1x128x128xi32>
        %get3A_128 = vector.shape_cast %get3A_127 : vector<1x128x128xi32> to vector<128x128xi32>
        %select_n3A_129 = arith.select %eq3A_117, %get3A_128, %while3A_115 : vector<128x128xi1>, vector<128x128xi32>
        scf.yield %select_n3A_123, %select_n3A_129 : vector<128x128xf32>, vector<128x128xi32>
      }
      %reduce_min3A = arith.constant dense<0x7F800000> : vector<128xf32>
      %reduce_min3A_93 = vector.multi_reduction <minimumf>, %while3A_92#0, %reduce_min3A [1] : vector<128x128xf32> to vector<128xf32>
      %broadcast_in_dim3A_94 = vector.shape_cast %reduce_min3A_93 : vector<128xf32> to vector<128x1xf32>
      %eq3A_95 = vector.broadcast %broadcast_in_dim3A_94 : vector<128x1xf32> to vector<128x128xf32>
      %eq3A_96 = arith.cmpf oeq, %while3A_92#0, %eq3A_95 : vector<128x128xf32>
      %jit3A_97 = arith.constant 8192 : i32
      %broadcast_in_dim3A_98 = vector.broadcast %jit3A_97 : i32 to vector<128x128xi32>
      %select_n3A_99 = arith.select %eq3A_96, %while3A_92#1, %broadcast_in_dim3A_98 : vector<128x128xi1>, vector<128x128xi32>
      %reduce_min3A_100 = arith.constant dense<2147483647> : vector<128xi32>
      %reduce_min3A_101 = vector.multi_reduction <minsi>, %select_n3A_99, %reduce_min3A_100 [1] : vector<128x128xi32> to vector<128xi32>
      %broadcast_in_dim3A_102 = vector.shape_cast %reduce_min3A_101 : vector<128xi32> to vector<128x1xi32>
      %eq3A_103 = vector.broadcast %broadcast_in_dim3A_94 : vector<128x1xf32> to vector<128x128xf32>
      %eq3A_104 = arith.cmpf oeq, %while3A_92#0, %eq3A_103 : vector<128x128xf32>
      %eq3A_105 = vector.broadcast %broadcast_in_dim3A_102 : vector<128x1xi32> to vector<128x128xi32>
      %eq3A_106 = arith.cmpi eq, %while3A_92#1, %eq3A_105 : vector<128x128xi32>
      %and3A = arith.andi %eq3A_104, %eq3A_106 : vector<128x128xi1>
      %convert_element_type3A = arith.extui %and3A : vector<128x128xi1> to vector<128x128xi32>
      %add3A_107 = arith.addi %scan3A_77, %convert_element_type3A : vector<128x128xi32>
      %eq3A_108 = vector.broadcast %scan3A_76 : i32 to vector<128x32xi32>
      %eq3A_109 = arith.cmpi eq, %iota3A_62, %eq3A_108 : vector<128x32xi32>
      %broadcast_in_dim3A_110 = vector.shape_cast %broadcast_in_dim3A_102 : vector<128x1xi32> to vector<128x1xi32>
      %broadcast_in_dim3A_111 = vector.broadcast %broadcast_in_dim3A_110 : vector<128x1xi32> to vector<128x32xi32>
      %select_n3A_112 = arith.select %eq3A_109, %broadcast_in_dim3A_111, %scan3A_78 : vector<128x32xi1>, vector<128x32xi32>
      scf.yield %add3A_107, %select_n3A_112 : vector<128x128xi32>, vector<128x32xi32>
    }
    %scan3A_72 = arith.constant 32 : i32
    %swap3A_73 = arith.constant 0 : index
    %swap3A_74 = arith.constant 0 : index
    %swap3A_75 = vector.load %arg3[%swap3A_73, %swap3A_74] : memref<128x32xi32, #tpu.memory_space<vmem>>, vector<128x32xi32>
    tpu.vector_store %arg3[%swap3A_73, %swap3A_74], %scan3A_71#1 {strides = array<i32>} : memref<128x32xi32, #tpu.memory_space<vmem>>, vector<128x32xi32>,
    return
  }
  func.func @transform_0(%arg0: i32) -> (i32, i32) {
    %c0_i32 = arith.constant 0 : i32
    %c0_i32_0 = arith.constant 0 : i32
    %c0_i32_1 = arith.constant 0 : i32
    return %c0_i32, %c0_i32_0 : i32, i32
  }
  func.func @transform_1(%arg0: i32) -> (i32, i32) {
    %c0_i32 = arith.constant 0 : i32
    %c0_i32_0 = arith.constant 0 : i32
    return %arg0, %c0_i32 : i32, i32
  }
  func.func @transform_2(%arg0: i32) -> (i32, i32) {
    %c0_i32 = arith.constant 0 : i32
    %c0_i32_0 = arith.constant 0 : i32
    return %arg0, %c0_i32 : i32, i32
  }
}

module attributes {stable_mosaic.version = 14 : i64} {
  func.func @_post_body(%arg0: i32, %arg1: memref<256x8xf32, #tpu.memory_space<vmem>>, %arg2: memref<256x9xf32, #tpu.memory_space<vmem>>, %arg3: memref<256x32xf32, #tpu.memory_space<vmem>>, %arg4: memref<256x32xf32, #tpu.memory_space<vmem>>, %arg5: memref<256x32xf32, #tpu.memory_space<vmem>>, %arg6: memref<256x192xf32, #tpu.memory_space<vmem>>, %arg7: memref<3x256x32xf32, #tpu.memory_space<vmem>>, %arg8: memref<256x2048xf32, #tpu.memory_space<vmem>>) attributes {dimension_semantics = [#tpu.dimension_semantics<arbitrary>], iteration_bounds = array<i64: 32>, scalar_prefetch = 0 : i64, scratch_operands = 0 : i64, tpu.core_type = #tpu.core_type<tc>, window_params = [{transform_indices = @transform_0, window_bounds = array<i64: 256, 8>}, {transform_indices = @transform_1, window_bounds = array<i64: 256, 9>}, {transform_indices = @transform_2, window_bounds = array<i64: 256, 32>}, {transform_indices = @transform_3, window_bounds = array<i64: 256, 32>}, {transform_indices = @transform_4, window_bounds = array<i64: 256, 32>}, {transform_indices = @transform_5, window_bounds = array<i64: 256, 192>}, {transform_indices = @transform_6, window_bounds = array<i64: 3, 256, 32>}, {transform_indices = @transform_7, window_bounds = array<i64: 256, 2048>}]} {
    %get3A = arith.constant 0 : index
    %get3A_0 = arith.constant 0 : index
    %get3A_1 = vector.load %arg1[%get3A, %get3A_0] : memref<256x8xf32, #tpu.memory_space<vmem>>, vector<256x8xf32>
    %get3A_2 = arith.constant 0 : index
    %get3A_3 = arith.constant 0 : index
    %get3A_4 = vector.load %arg2[%get3A_2, %get3A_3] : memref<256x9xf32, #tpu.memory_space<vmem>>, vector<256x9xf32>
    %get3A_5 = arith.constant 0 : index
    %get3A_6 = arith.constant 0 : index
    %get3A_7 = vector.load %arg3[%get3A_5, %get3A_6] : memref<256x32xf32, #tpu.memory_space<vmem>>, vector<256x32xf32>
    %slice3A = vector.extract_strided_slice %get3A_1 {offsets = [0, 0], sizes = [256, 1], strides = [1, 1]} : vector<256x8xf32> to vector<256x1xf32>
    %sub3A = vector.broadcast %slice3A : vector<256x1xf32> to vector<256x32xf32>
    %sub3A_8 = arith.subf %get3A_7, %sub3A : vector<256x32xf32>
    %get3A_9 = arith.constant 0 : index
    %get3A_10 = arith.constant 0 : index
    %get3A_11 = vector.load %arg4[%get3A_9, %get3A_10] : memref<256x32xf32, #tpu.memory_space<vmem>>, vector<256x32xf32>
    %slice3A_12 = vector.extract_strided_slice %get3A_1 {offsets = [0, 1], sizes = [256, 1], strides = [1, 1]} : vector<256x8xf32> to vector<256x1xf32>
    %sub3A_13 = vector.broadcast %slice3A_12 : vector<256x1xf32> to vector<256x32xf32>
    %sub3A_14 = arith.subf %get3A_11, %sub3A_13 : vector<256x32xf32>
    %get3A_15 = arith.constant 0 : index
    %get3A_16 = arith.constant 0 : index
    %get3A_17 = vector.load %arg5[%get3A_15, %get3A_16] : memref<256x32xf32, #tpu.memory_space<vmem>>, vector<256x32xf32>
    %slice3A_18 = vector.extract_strided_slice %get3A_1 {offsets = [0, 2], sizes = [256, 1], strides = [1, 1]} : vector<256x8xf32> to vector<256x1xf32>
    %sub3A_19 = vector.broadcast %slice3A_18 : vector<256x1xf32> to vector<256x32xf32>
    %sub3A_20 = arith.subf %get3A_17, %sub3A_19 : vector<256x32xf32>
    %slice3A_21 = vector.extract_strided_slice %get3A_4 {offsets = [0, 0], sizes = [256, 1], strides = [1, 1]} : vector<256x9xf32> to vector<256x1xf32>
    %mul3A = vector.broadcast %slice3A_21 : vector<256x1xf32> to vector<256x32xf32>
    %mul3A_22 = arith.mulf %mul3A, %sub3A_8 : vector<256x32xf32>
    %slice3A_23 = vector.extract_strided_slice %get3A_4 {offsets = [0, 3], sizes = [256, 1], strides = [1, 1]} : vector<256x9xf32> to vector<256x1xf32>
    %mul3A_24 = vector.broadcast %slice3A_23 : vector<256x1xf32> to vector<256x32xf32>
    %mul3A_25 = arith.mulf %mul3A_24, %sub3A_14 : vector<256x32xf32>
    %add3A = arith.addf %mul3A_22, %mul3A_25 : vector<256x32xf32>
    %slice3A_26 = vector.extract_strided_slice %get3A_4 {offsets = [0, 6], sizes = [256, 1], strides = [1, 1]} : vector<256x9xf32> to vector<256x1xf32>
    %mul3A_27 = vector.broadcast %slice3A_26 : vector<256x1xf32> to vector<256x32xf32>
    %mul3A_28 = arith.mulf %mul3A_27, %sub3A_20 : vector<256x32xf32>
    %add3A_29 = arith.addf %add3A, %mul3A_28 : vector<256x32xf32>
    %slice3A_30 = vector.extract_strided_slice %get3A_4 {offsets = [0, 1], sizes = [256, 1], strides = [1, 1]} : vector<256x9xf32> to vector<256x1xf32>
    %mul3A_31 = vector.broadcast %slice3A_30 : vector<256x1xf32> to vector<256x32xf32>
    %mul3A_32 = arith.mulf %mul3A_31, %sub3A_8 : vector<256x32xf32>
    %slice3A_33 = vector.extract_strided_slice %get3A_4 {offsets = [0, 4], sizes = [256, 1], strides = [1, 1]} : vector<256x9xf32> to vector<256x1xf32>
    %mul3A_34 = vector.broadcast %slice3A_33 : vector<256x1xf32> to vector<256x32xf32>
    %mul3A_35 = arith.mulf %mul3A_34, %sub3A_14 : vector<256x32xf32>
    %add3A_36 = arith.addf %mul3A_32, %mul3A_35 : vector<256x32xf32>
    %slice3A_37 = vector.extract_strided_slice %get3A_4 {offsets = [0, 7], sizes = [256, 1], strides = [1, 1]} : vector<256x9xf32> to vector<256x1xf32>
    %mul3A_38 = vector.broadcast %slice3A_37 : vector<256x1xf32> to vector<256x32xf32>
    %mul3A_39 = arith.mulf %mul3A_38, %sub3A_20 : vector<256x32xf32>
    %add3A_40 = arith.addf %add3A_36, %mul3A_39 : vector<256x32xf32>
    %slice3A_41 = vector.extract_strided_slice %get3A_4 {offsets = [0, 2], sizes = [256, 1], strides = [1, 1]} : vector<256x9xf32> to vector<256x1xf32>
    %mul3A_42 = vector.broadcast %slice3A_41 : vector<256x1xf32> to vector<256x32xf32>
    %mul3A_43 = arith.mulf %mul3A_42, %sub3A_8 : vector<256x32xf32>
    %slice3A_44 = vector.extract_strided_slice %get3A_4 {offsets = [0, 5], sizes = [256, 1], strides = [1, 1]} : vector<256x9xf32> to vector<256x1xf32>
    %mul3A_45 = vector.broadcast %slice3A_44 : vector<256x1xf32> to vector<256x32xf32>
    %mul3A_46 = arith.mulf %mul3A_45, %sub3A_14 : vector<256x32xf32>
    %add3A_47 = arith.addf %mul3A_43, %mul3A_46 : vector<256x32xf32>
    %slice3A_48 = vector.extract_strided_slice %get3A_4 {offsets = [0, 8], sizes = [256, 1], strides = [1, 1]} : vector<256x9xf32> to vector<256x1xf32>
    %mul3A_49 = vector.broadcast %slice3A_48 : vector<256x1xf32> to vector<256x32xf32>
    %mul3A_50 = arith.mulf %mul3A_49, %sub3A_20 : vector<256x32xf32>
    %add3A_51 = arith.addf %add3A_47, %mul3A_50 : vector<256x32xf32>
    %stack3A = vector.shape_cast %add3A_29 : vector<256x32xf32> to vector<1x256x32xf32>
    %stack3A_52 = vector.shape_cast %add3A_40 : vector<256x32xf32> to vector<1x256x32xf32>
    %stack3A_53 = vector.shape_cast %add3A_51 : vector<256x32xf32> to vector<1x256x32xf32>
    %stack3A_54 = tpu.concatenate %stack3A, %stack3A_52, %stack3A_53 in 0 : vector<1x256x32xf32>, vector<1x256x32xf32>, vector<1x256x32xf32> -> vector<3x256x32xf32>
    %swap3A = arith.constant 0 : index
    %swap3A_55 = arith.constant 0 : index
    %swap3A_56 = arith.constant 0 : index
    %swap3A_57 = vector.load %arg7[%swap3A, %swap3A_55, %swap3A_56] : memref<3x256x32xf32, #tpu.memory_space<vmem>>, vector<3x256x32xf32>
    tpu.vector_store %arg7[%swap3A, %swap3A_55, %swap3A_56], %stack3A_54 {strides = array<i32>} : memref<3x256x32xf32, #tpu.memory_space<vmem>>, vector<3x256x32xf32>,
    %mul3A_58 = arith.mulf %add3A_29, %add3A_29 : vector<256x32xf32>
    %mul3A_59 = arith.mulf %add3A_40, %add3A_40 : vector<256x32xf32>
    %add3A_60 = arith.addf %mul3A_58, %mul3A_59 : vector<256x32xf32>
    %mul3A_61 = arith.mulf %add3A_51, %add3A_51 : vector<256x32xf32>
    %add3A_62 = arith.addf %add3A_60, %mul3A_61 : vector<256x32xf32>
    %sqrt3A = math.sqrt %add3A_62 : vector<256x32xf32>
    %iota3A = tpu.iota {dimensions = array<i32: 1>} : vector<1x2048xi32>
    %jit3A = arith.constant 64 : i32
    %eq3A = arith.constant 0 : i32
    %eq3A_63 = arith.cmpi eq, %jit3A, %eq3A : i32
    %jit3A_64 = arith.constant 1 : i32
    %select_n3A = arith.select %eq3A_63, %jit3A_64, %jit3A : i32
    %rem3A = vector.broadcast %select_n3A : i32 to vector<1x2048xi32>
    %rem3A_65 = arith.remsi %iota3A, %rem3A : vector<1x2048xi32>
    %ne3A = arith.constant 0 : i32
    %ne3A_66 = vector.broadcast %ne3A : i32 to vector<1x2048xi32>
    %ne3A_67 = arith.cmpi ne, %rem3A_65, %ne3A_66 : vector<1x2048xi32>
    %lt3A = arith.constant 0 : i32
    %lt3A_68 = vector.broadcast %lt3A : i32 to vector<1x2048xi32>
    %lt3A_69 = arith.cmpi slt, %rem3A_65, %lt3A_68 : vector<1x2048xi32>
    %lt3A_70 = arith.constant 0 : i32
    %lt3A_71 = arith.cmpi slt, %select_n3A, %lt3A_70 : i32
    %ne3A_72 = vector.broadcast %lt3A_71 : i1 to vector<1x2048xi1>
    %ne3A_73 = vector.broadcast %ne3A_72 : vector<1x2048xi1> to vector<1x2048xi1>
    %ne3A_74 = arith.xori %lt3A_69, %ne3A_73 : vector<1x2048xi1>
    %and3A = arith.andi %ne3A_74, %ne3A_67 : vector<1x2048xi1>
    %add3A_75 = vector.broadcast %select_n3A : i32 to vector<1x2048xi32>
    %add3A_76 = arith.addi %rem3A_65, %add3A_75 : vector<1x2048xi32>
    %select_n3A_77 = arith.select %and3A, %add3A_76, %rem3A_65 : vector<1x2048xi1>, vector<1x2048xi32>
    %jit3A_78 = arith.constant 32 : i32
    %eq3A_79 = arith.constant 0 : i32
    %eq3A_80 = arith.cmpi eq, %jit3A_78, %eq3A_79 : i32
    %jit3A_81 = arith.constant 1 : i32
    %select_n3A_82 = arith.select %eq3A_80, %jit3A_81, %jit3A_78 : i32
    %rem3A_83 = vector.broadcast %select_n3A_82 : i32 to vector<1x2048xi32>
    %rem3A_84 = arith.remsi %select_n3A_77, %rem3A_83 : vector<1x2048xi32>
    %ne3A_85 = arith.constant 0 : i32
    %ne3A_86 = vector.broadcast %ne3A_85 : i32 to vector<1x2048xi32>
    %ne3A_87 = arith.cmpi ne, %rem3A_84, %ne3A_86 : vector<1x2048xi32>
    %lt3A_88 = arith.constant 0 : i32
    %lt3A_89 = vector.broadcast %lt3A_88 : i32 to vector<1x2048xi32>
    %lt3A_90 = arith.cmpi slt, %rem3A_84, %lt3A_89 : vector<1x2048xi32>
    %lt3A_91 = arith.constant 0 : i32
    %lt3A_92 = arith.cmpi slt, %select_n3A_82, %lt3A_91 : i32
    %ne3A_93 = vector.broadcast %lt3A_92 : i1 to vector<1x2048xi1>
    %ne3A_94 = vector.broadcast %ne3A_93 : vector<1x2048xi1> to vector<1x2048xi1>
    %ne3A_95 = arith.xori %lt3A_90, %ne3A_94 : vector<1x2048xi1>
    %and3A_96 = arith.andi %ne3A_95, %ne3A_87 : vector<1x2048xi1>
    %add3A_97 = vector.broadcast %select_n3A_82 : i32 to vector<1x2048xi32>
    %add3A_98 = arith.addi %rem3A_84, %add3A_97 : vector<1x2048xi32>
    %select_n3A_99 = arith.select %and3A_96, %add3A_98, %rem3A_84 : vector<1x2048xi1>, vector<1x2048xi32>
    %convert_element_type3A = arith.sitofp %select_n3A_99 : vector<1x2048xi32> to vector<1x2048xf32>
    %mul3A_100 = arith.constant -0.287823141 : f32
    %mul3A_101 = vector.broadcast %mul3A_100 : f32 to vector<1x2048xf32>
    %mul3A_102 = arith.mulf %mul3A_101, %convert_element_type3A : vector<1x2048xf32>
    %exp3A = math.exp %mul3A_102 : vector<1x2048xf32>
    %iota3A_103 = tpu.iota {dimensions = array<i32: 0>} : vector<32x2048xi32>
    %iota3A_104 = tpu.iota {dimensions = array<i32: 1>} : vector<32x2048xi32>
    %jit3A_105 = arith.constant 64 : i32
    %div3A = vector.broadcast %jit3A_105 : i32 to vector<32x2048xi32>
    %div3A_106 = arith.divsi %iota3A_104, %div3A : vector<32x2048xi32>
    %sign3A = arith.constant 0 : i32
    %sign3A_107 = vector.broadcast %sign3A : i32 to vector<32x2048xi32>
    %sign3A_108 = arith.cmpi sgt, %iota3A_104, %sign3A_107 : vector<32x2048xi32>
    %sign3A_109 = arith.extui %sign3A_108 : vector<32x2048xi1> to vector<32x2048xi32>
    %sign3A_110 = arith.constant 0 : i32
    %sign3A_111 = vector.broadcast %sign3A_110 : i32 to vector<32x2048xi32>
    %sign3A_112 = arith.cmpi slt, %iota3A_104, %sign3A_111 : vector<32x2048xi32>
    %sign3A_113 = arith.extui %sign3A_112 : vector<32x2048xi1> to vector<32x2048xi32>
    %sign3A_114 = arith.subi %sign3A_109, %sign3A_113 : vector<32x2048xi32>
    %sign3A_115 = arith.constant 0 : i32
    %sign3A_116 = arith.cmpi sgt, %jit3A_105, %sign3A_115 : i32
    %sign3A_117 = arith.extui %sign3A_116 : i1 to i32
    %sign3A_118 = arith.constant 0 : i32
    %sign3A_119 = arith.cmpi slt, %jit3A_105, %sign3A_118 : i32
    %sign3A_120 = arith.extui %sign3A_119 : i1 to i32
    %sign3A_121 = arith.subi %sign3A_117, %sign3A_120 : i32
    %ne3A_122 = vector.broadcast %sign3A_121 : i32 to vector<32x2048xi32>
    %ne3A_123 = arith.cmpi ne, %sign3A_114, %ne3A_122 : vector<32x2048xi32>
    %rem3A_124 = vector.broadcast %jit3A_105 : i32 to vector<32x2048xi32>
    %rem3A_125 = arith.remsi %iota3A_104, %rem3A_124 : vector<32x2048xi32>
    %ne3A_126 = arith.constant 0 : i32
    %ne3A_127 = vector.broadcast %ne3A_126 : i32 to vector<32x2048xi32>
    %ne3A_128 = arith.cmpi ne, %rem3A_125, %ne3A_127 : vector<32x2048xi32>
    %and3A_129 = arith.andi %ne3A_123, %ne3A_128 : vector<32x2048xi1>
    %sub3A_130 = arith.constant 1 : i32
    %sub3A_131 = vector.broadcast %sub3A_130 : i32 to vector<32x2048xi32>
    %sub3A_132 = arith.subi %div3A_106, %sub3A_131 : vector<32x2048xi32>
    %select_n3A_133 = arith.select %and3A_129, %sub3A_132, %div3A_106 : vector<32x2048xi1>, vector<32x2048xi32>
    %eq3A_134 = arith.cmpi eq, %iota3A_103, %select_n3A_133 : vector<32x2048xi32>
    %jit3A_135 = arith.constant 0.000000e+00 : f32
    %broadcast_in_dim3A = vector.shape_cast %exp3A : vector<1x2048xf32> to vector<1x2048xf32>
    %broadcast_in_dim3A_136 = vector.broadcast %broadcast_in_dim3A : vector<1x2048xf32> to vector<32x2048xf32>
    %broadcast_in_dim3A_137 = vector.broadcast %jit3A_135 : f32 to vector<32x2048xf32>
    %select_n3A_138 = arith.select %eq3A_134, %broadcast_in_dim3A_136, %broadcast_in_dim3A_137 : vector<32x2048xi1>, vector<32x2048xf32>
    %dot_general3A = arith.constant dense<0.000000e+00> : vector<256x2048xf32>
    %dot_general3A_139 = tpu.matmul %sqrt3A, %select_n3A_138, %dot_general3A {dimension_numbers = #tpu.dot_dimension_numbers<[1], [0], [0], [1], [0, 0, 1, 1], [], []>, transpose_lhs_hint = false} : vector<256x32xf32>, vector<32x2048xf32>, vector<256x2048xf32> -> vector<256x2048xf32>
    %lt3A_140 = arith.constant 32 : i32
    %lt3A_141 = vector.broadcast %lt3A_140 : i32 to vector<1x2048xi32>
    %lt3A_142 = arith.cmpi slt, %select_n3A_77, %lt3A_141 : vector<1x2048xi32>
    %jit3A_143 = arith.constant 1.57079637 : f32
    %jit3A_144 = arith.constant 0.000000e+00 : f32
    %broadcast_in_dim3A_145 = vector.broadcast %jit3A_143 : f32 to vector<1x2048xf32>
    %broadcast_in_dim3A_146 = vector.broadcast %jit3A_144 : f32 to vector<1x2048xf32>
    %select_n3A_147 = arith.select %lt3A_142, %broadcast_in_dim3A_145, %broadcast_in_dim3A_146 : vector<1x2048xi1>, vector<1x2048xf32>
    %sub3A_148 = vector.broadcast %select_n3A_147 : vector<1x2048xf32> to vector<256x2048xf32>
    %sub3A_149 = arith.subf %dot_general3A_139, %sub3A_148 : vector<256x2048xf32>
    %mul3A_150 = arith.constant 0.159154937 : f32
    %mul3A_151 = vector.broadcast %mul3A_150 : f32 to vector<256x2048xf32>
    %mul3A_152 = arith.mulf %sub3A_149, %mul3A_151 : vector<256x2048xf32>
    %add3A_153 = arith.constant 5.000000e-01 : f32
    %add3A_154 = vector.broadcast %add3A_153 : f32 to vector<256x2048xf32>
    %add3A_155 = arith.addf %mul3A_152, %add3A_154 : vector<256x2048xf32>
    %floor3A = math.floor %add3A_155 : vector<256x2048xf32>
    %mul3A_156 = arith.constant 6.28318548 : f32
    %mul3A_157 = vector.broadcast %mul3A_156 : f32 to vector<256x2048xf32>
    %mul3A_158 = arith.mulf %floor3A, %mul3A_157 : vector<256x2048xf32>
    %sub3A_159 = arith.subf %sub3A_149, %mul3A_158 : vector<256x2048xf32>
    %mul3A_160 = arith.mulf %sub3A_159, %sub3A_159 : vector<256x2048xf32>
    %broadcast_in_dim3A_161 = arith.constant 1.73689951E-9 : f32
    %broadcast_in_dim3A_162 = vector.broadcast %broadcast_in_dim3A_161 : f32 to vector<256x2048xf32>
    %mul3A_163 = arith.mulf %broadcast_in_dim3A_162, %mul3A_160 : vector<256x2048xf32>
    %add3A_164 = arith.constant -2.71133388E-7 : f32
    %add3A_165 = vector.broadcast %add3A_164 : f32 to vector<256x2048xf32>
    %add3A_166 = arith.addf %mul3A_163, %add3A_165 : vector<256x2048xf32>
    %mul3A_167 = arith.mulf %add3A_166, %mul3A_160 : vector<256x2048xf32>
    %add3A_168 = arith.constant 2.47734206E-5 : f32
    %add3A_169 = vector.broadcast %add3A_168 : f32 to vector<256x2048xf32>
    %add3A_170 = arith.addf %mul3A_167, %add3A_169 : vector<256x2048xf32>
    %mul3A_171 = arith.mulf %add3A_170, %mul3A_160 : vector<256x2048xf32>
    %add3A_172 = arith.constant -0.00138879707 : f32
    %add3A_173 = vector.broadcast %add3A_172 : f32 to vector<256x2048xf32>
    %add3A_174 = arith.addf %mul3A_171, %add3A_173 : vector<256x2048xf32>
    %mul3A_175 = arith.mulf %add3A_174, %mul3A_160 : vector<256x2048xf32>
    %add3A_176 = arith.constant 0.0416665226 : f32
    %add3A_177 = vector.broadcast %add3A_176 : f32 to vector<256x2048xf32>
    %add3A_178 = arith.addf %mul3A_175, %add3A_177 : vector<256x2048xf32>
    %mul3A_179 = arith.mulf %add3A_178, %mul3A_160 : vector<256x2048xf32>
    %add3A_180 = arith.constant -0.499999911 : f32
    %add3A_181 = vector.broadcast %add3A_180 : f32 to vector<256x2048xf32>
    %add3A_182 = arith.addf %mul3A_179, %add3A_181 : vector<256x2048xf32>
    %mul3A_183 = arith.mulf %add3A_182, %mul3A_160 : vector<256x2048xf32>
    %add3A_184 = arith.constant 1.000000e+00 : f32
    %add3A_185 = vector.broadcast %add3A_184 : f32 to vector<256x2048xf32>
    %add3A_186 = arith.addf %mul3A_183, %add3A_185 : vector<256x2048xf32>
    %swap3A_187 = arith.constant 0 : index
    %swap3A_188 = arith.constant 0 : index
    %swap3A_189 = vector.load %arg8[%swap3A_187, %swap3A_188] : memref<256x2048xf32, #tpu.memory_space<vmem>>, vector<256x2048xf32>
    tpu.vector_store %arg8[%swap3A_187, %swap3A_188], %add3A_186 {strides = array<i32>} : memref<256x2048xf32, #tpu.memory_space<vmem>>, vector<256x2048xf32>,
    %iota3A_190 = tpu.iota {dimensions = array<i32: 1>} : vector<1x192xi32>
    %jit3A_191 = arith.constant 64 : i32
    %eq3A_192 = arith.constant 0 : i32
    %eq3A_193 = arith.cmpi eq, %jit3A_191, %eq3A_192 : i32
    %jit3A_194 = arith.constant 1 : i32
    %select_n3A_195 = arith.select %eq3A_193, %jit3A_194, %jit3A_191 : i32
    %rem3A_196 = vector.broadcast %select_n3A_195 : i32 to vector<1x192xi32>
    %rem3A_197 = arith.remsi %iota3A_190, %rem3A_196 : vector<1x192xi32>
    %ne3A_198 = arith.constant 0 : i32
    %ne3A_199 = vector.broadcast %ne3A_198 : i32 to vector<1x192xi32>
    %ne3A_200 = arith.cmpi ne, %rem3A_197, %ne3A_199 : vector<1x192xi32>
    %lt3A_201 = arith.constant 0 : i32
    %lt3A_202 = vector.broadcast %lt3A_201 : i32 to vector<1x192xi32>
    %lt3A_203 = arith.cmpi slt, %rem3A_197, %lt3A_202 : vector<1x192xi32>
    %lt3A_204 = arith.constant 0 : i32
    %lt3A_205 = arith.cmpi slt, %select_n3A_195, %lt3A_204 : i32
    %ne3A_206 = vector.broadcast %lt3A_205 : i1 to vector<1x192xi1>
    %ne3A_207 = vector.broadcast %ne3A_206 : vector<1x192xi1> to vector<1x192xi1>
    %ne3A_208 = arith.xori %lt3A_203, %ne3A_207 : vector<1x192xi1>
    %and3A_209 = arith.andi %ne3A_208, %ne3A_200 : vector<1x192xi1>
    %add3A_210 = vector.broadcast %select_n3A_195 : i32 to vector<1x192xi32>
    %add3A_211 = arith.addi %rem3A_197, %add3A_210 : vector<1x192xi32>
    %select_n3A_212 = arith.select %and3A_209, %add3A_211, %rem3A_197 : vector<1x192xi1>, vector<1x192xi32>
    %jit3A_213 = arith.constant 32 : i32
    %eq3A_214 = arith.constant 0 : i32
    %eq3A_215 = arith.cmpi eq, %jit3A_213, %eq3A_214 : i32
    %jit3A_216 = arith.constant 1 : i32
    %select_n3A_217 = arith.select %eq3A_215, %jit3A_216, %jit3A_213 : i32
    %rem3A_218 = vector.broadcast %select_n3A_217 : i32 to vector<1x192xi32>
    %rem3A_219 = arith.remsi %select_n3A_212, %rem3A_218 : vector<1x192xi32>
    %ne3A_220 = arith.constant 0 : i32
    %ne3A_221 = vector.broadcast %ne3A_220 : i32 to vector<1x192xi32>
    %ne3A_222 = arith.cmpi ne, %rem3A_219, %ne3A_221 : vector<1x192xi32>
    %lt3A_223 = arith.constant 0 : i32
    %lt3A_224 = vector.broadcast %lt3A_223 : i32 to vector<1x192xi32>
    %lt3A_225 = arith.cmpi slt, %rem3A_219, %lt3A_224 : vector<1x192xi32>
    %lt3A_226 = arith.constant 0 : i32
    %lt3A_227 = arith.cmpi slt, %select_n3A_217, %lt3A_226 : i32
    %ne3A_228 = vector.broadcast %lt3A_227 : i1 to vector<1x192xi1>
    %ne3A_229 = vector.broadcast %ne3A_228 : vector<1x192xi1> to vector<1x192xi1>
    %ne3A_230 = arith.xori %lt3A_225, %ne3A_229 : vector<1x192xi1>
    %and3A_231 = arith.andi %ne3A_230, %ne3A_222 : vector<1x192xi1>
    %add3A_232 = vector.broadcast %select_n3A_217 : i32 to vector<1x192xi32>
    %add3A_233 = arith.addi %rem3A_219, %add3A_232 : vector<1x192xi32>
    %select_n3A_234 = arith.select %and3A_231, %add3A_233, %rem3A_219 : vector<1x192xi1>, vector<1x192xi32>
    %convert_element_type3A_235 = arith.sitofp %select_n3A_234 : vector<1x192xi32> to vector<1x192xf32>
    %mul3A_236 = arith.constant -0.287823141 : f32
    %mul3A_237 = vector.broadcast %mul3A_236 : f32 to vector<1x192xf32>
    %mul3A_238 = arith.mulf %mul3A_237, %convert_element_type3A_235 : vector<1x192xf32>
    %exp3A_239 = math.exp %mul3A_238 : vector<1x192xf32>
    %iota3A_240 = tpu.iota {dimensions = array<i32: 0>} : vector<8x192xi32>
    %iota3A_241 = tpu.iota {dimensions = array<i32: 1>} : vector<8x192xi32>
    %jit3A_242 = arith.constant 64 : i32
    %div3A_243 = vector.broadcast %jit3A_242 : i32 to vector<8x192xi32>
    %div3A_244 = arith.divsi %iota3A_241, %div3A_243 : vector<8x192xi32>
    %sign3A_245 = arith.constant 0 : i32
    %sign3A_246 = vector.broadcast %sign3A_245 : i32 to vector<8x192xi32>
    %sign3A_247 = arith.cmpi sgt, %iota3A_241, %sign3A_246 : vector<8x192xi32>
    %sign3A_248 = arith.extui %sign3A_247 : vector<8x192xi1> to vector<8x192xi32>
    %sign3A_249 = arith.constant 0 : i32
    %sign3A_250 = vector.broadcast %sign3A_249 : i32 to vector<8x192xi32>
    %sign3A_251 = arith.cmpi slt, %iota3A_241, %sign3A_250 : vector<8x192xi32>
    %sign3A_252 = arith.extui %sign3A_251 : vector<8x192xi1> to vector<8x192xi32>
    %sign3A_253 = arith.subi %sign3A_248, %sign3A_252 : vector<8x192xi32>
    %sign3A_254 = arith.constant 0 : i32
    %sign3A_255 = arith.cmpi sgt, %jit3A_242, %sign3A_254 : i32
    %sign3A_256 = arith.extui %sign3A_255 : i1 to i32
    %sign3A_257 = arith.constant 0 : i32
    %sign3A_258 = arith.cmpi slt, %jit3A_242, %sign3A_257 : i32
    %sign3A_259 = arith.extui %sign3A_258 : i1 to i32
    %sign3A_260 = arith.subi %sign3A_256, %sign3A_259 : i32
    %ne3A_261 = vector.broadcast %sign3A_260 : i32 to vector<8x192xi32>
    %ne3A_262 = arith.cmpi ne, %sign3A_253, %ne3A_261 : vector<8x192xi32>
    %rem3A_263 = vector.broadcast %jit3A_242 : i32 to vector<8x192xi32>
    %rem3A_264 = arith.remsi %iota3A_241, %rem3A_263 : vector<8x192xi32>
    %ne3A_265 = arith.constant 0 : i32
    %ne3A_266 = vector.broadcast %ne3A_265 : i32 to vector<8x192xi32>
    %ne3A_267 = arith.cmpi ne, %rem3A_264, %ne3A_266 : vector<8x192xi32>
    %and3A_268 = arith.andi %ne3A_262, %ne3A_267 : vector<8x192xi1>
    %sub3A_269 = arith.constant 1 : i32
    %sub3A_270 = vector.broadcast %sub3A_269 : i32 to vector<8x192xi32>
    %sub3A_271 = arith.subi %div3A_244, %sub3A_270 : vector<8x192xi32>
    %select_n3A_272 = arith.select %and3A_268, %sub3A_271, %div3A_244 : vector<8x192xi1>, vector<8x192xi32>
    %eq3A_273 = arith.cmpi eq, %iota3A_240, %select_n3A_272 : vector<8x192xi32>
    %jit3A_274 = arith.constant 0.000000e+00 : f32
    %broadcast_in_dim3A_275 = vector.shape_cast %exp3A_239 : vector<1x192xf32> to vector<1x192xf32>
    %broadcast_in_dim3A_276 = vector.broadcast %broadcast_in_dim3A_275 : vector<1x192xf32> to vector<8x192xf32>
    %broadcast_in_dim3A_277 = vector.broadcast %jit3A_274 : f32 to vector<8x192xf32>
    %select_n3A_278 = arith.select %eq3A_273, %broadcast_in_dim3A_276, %broadcast_in_dim3A_277 : vector<8x192xi1>, vector<8x192xf32>
    %dot_general3A_279 = arith.constant dense<0.000000e+00> : vector<256x192xf32>
    %dot_general3A_280 = tpu.matmul %get3A_1, %select_n3A_278, %dot_general3A_279 {dimension_numbers = #tpu.dot_dimension_numbers<[1], [0], [0], [1], [0, 0, 1, 1], [], []>, transpose_lhs_hint = false} : vector<256x8xf32>, vector<8x192xf32>, vector<256x192xf32> -> vector<256x192xf32>
    %lt3A_281 = arith.constant 32 : i32
    %lt3A_282 = vector.broadcast %lt3A_281 : i32 to vector<1x192xi32>
    %lt3A_283 = arith.cmpi slt, %select_n3A_212, %lt3A_282 : vector<1x192xi32>
    %jit3A_284 = arith.constant 1.57079637 : f32
    %jit3A_285 = arith.constant 0.000000e+00 : f32
    %broadcast_in_dim3A_286 = vector.broadcast %jit3A_284 : f32 to vector<1x192xf32>
    %broadcast_in_dim3A_287 = vector.broadcast %jit3A_285 : f32 to vector<1x192xf32>
    %select_n3A_288 = arith.select %lt3A_283, %broadcast_in_dim3A_286, %broadcast_in_dim3A_287 : vector<1x192xi1>, vector<1x192xf32>
    %sub3A_289 = vector.broadcast %select_n3A_288 : vector<1x192xf32> to vector<256x192xf32>
    %sub3A_290 = arith.subf %dot_general3A_280, %sub3A_289 : vector<256x192xf32>
    %mul3A_291 = arith.constant 0.159154937 : f32
    %mul3A_292 = vector.broadcast %mul3A_291 : f32 to vector<256x192xf32>
    %mul3A_293 = arith.mulf %sub3A_290, %mul3A_292 : vector<256x192xf32>
    %add3A_294 = arith.constant 5.000000e-01 : f32
    %add3A_295 = vector.broadcast %add3A_294 : f32 to vector<256x192xf32>
    %add3A_296 = arith.addf %mul3A_293, %add3A_295 : vector<256x192xf32>
    %floor3A_297 = math.floor %add3A_296 : vector<256x192xf32>
    %mul3A_298 = arith.constant 6.28318548 : f32
    %mul3A_299 = vector.broadcast %mul3A_298 : f32 to vector<256x192xf32>
    %mul3A_300 = arith.mulf %floor3A_297, %mul3A_299 : vector<256x192xf32>
    %sub3A_301 = arith.subf %sub3A_290, %mul3A_300 : vector<256x192xf32>
    %mul3A_302 = arith.mulf %sub3A_301, %sub3A_301 : vector<256x192xf32>
    %broadcast_in_dim3A_303 = arith.constant 1.73689951E-9 : f32
    %broadcast_in_dim3A_304 = vector.broadcast %broadcast_in_dim3A_303 : f32 to vector<256x192xf32>
    %mul3A_305 = arith.mulf %broadcast_in_dim3A_304, %mul3A_302 : vector<256x192xf32>
    %add3A_306 = arith.constant -2.71133388E-7 : f32
    %add3A_307 = vector.broadcast %add3A_306 : f32 to vector<256x192xf32>
    %add3A_308 = arith.addf %mul3A_305, %add3A_307 : vector<256x192xf32>
    %mul3A_309 = arith.mulf %add3A_308, %mul3A_302 : vector<256x192xf32>
    %add3A_310 = arith.constant 2.47734206E-5 : f32
    %add3A_311 = vector.broadcast %add3A_310 : f32 to vector<256x192xf32>
    %add3A_312 = arith.addf %mul3A_309, %add3A_311 : vector<256x192xf32>
    %mul3A_313 = arith.mulf %add3A_312, %mul3A_302 : vector<256x192xf32>
    %add3A_314 = arith.constant -0.00138879707 : f32
    %add3A_315 = vector.broadcast %add3A_314 : f32 to vector<256x192xf32>
    %add3A_316 = arith.addf %mul3A_313, %add3A_315 : vector<256x192xf32>
    %mul3A_317 = arith.mulf %add3A_316, %mul3A_302 : vector<256x192xf32>
    %add3A_318 = arith.constant 0.0416665226 : f32
    %add3A_319 = vector.broadcast %add3A_318 : f32 to vector<256x192xf32>
    %add3A_320 = arith.addf %mul3A_317, %add3A_319 : vector<256x192xf32>
    %mul3A_321 = arith.mulf %add3A_320, %mul3A_302 : vector<256x192xf32>
    %add3A_322 = arith.constant -0.499999911 : f32
    %add3A_323 = vector.broadcast %add3A_322 : f32 to vector<256x192xf32>
    %add3A_324 = arith.addf %mul3A_321, %add3A_323 : vector<256x192xf32>
    %mul3A_325 = arith.mulf %add3A_324, %mul3A_302 : vector<256x192xf32>
    %add3A_326 = arith.constant 1.000000e+00 : f32
    %add3A_327 = vector.broadcast %add3A_326 : f32 to vector<256x192xf32>
    %add3A_328 = arith.addf %mul3A_325, %add3A_327 : vector<256x192xf32>
    %swap3A_329 = arith.constant 0 : index
    %swap3A_330 = arith.constant 0 : index
    %swap3A_331 = vector.load %arg6[%swap3A_329, %swap3A_330] : memref<256x192xf32, #tpu.memory_space<vmem>>, vector<256x192xf32>
    tpu.vector_store %arg6[%swap3A_329, %swap3A_330], %add3A_328 {strides = array<i32>} : memref<256x192xf32, #tpu.memory_space<vmem>>, vector<256x192xf32>,
    return
  }
  func.func @transform_0(%arg0: i32) -> (i32, i32) {
    %c0_i32 = arith.constant 0 : i32
    %c0_i32_0 = arith.constant 0 : i32
    return %arg0, %c0_i32 : i32, i32
  }
  func.func @transform_1(%arg0: i32) -> (i32, i32) {
    %c0_i32 = arith.constant 0 : i32
    %c0_i32_0 = arith.constant 0 : i32
    return %arg0, %c0_i32 : i32, i32
  }
  func.func @transform_2(%arg0: i32) -> (i32, i32) {
    %c0_i32 = arith.constant 0 : i32
    %c0_i32_0 = arith.constant 0 : i32
    return %arg0, %c0_i32 : i32, i32
  }
  func.func @transform_3(%arg0: i32) -> (i32, i32) {
    %c0_i32 = arith.constant 0 : i32
    %c0_i32_0 = arith.constant 0 : i32
    return %arg0, %c0_i32 : i32, i32
  }
  func.func @transform_4(%arg0: i32) -> (i32, i32) {
    %c0_i32 = arith.constant 0 : i32
    %c0_i32_0 = arith.constant 0 : i32
    return %arg0, %c0_i32 : i32, i32
  }
  func.func @transform_5(%arg0: i32) -> (i32, i32) {
    %c0_i32 = arith.constant 0 : i32
    %c0_i32_0 = arith.constant 0 : i32
    return %arg0, %c0_i32 : i32, i32
  }
  func.func @transform_6(%arg0: i32) -> (i32, i32, i32) {
    %c0_i32 = arith.constant 0 : i32
    %c0_i32_0 = arith.constant 0 : i32
    %c0_i32_1 = arith.constant 0 : i32
    return %c0_i32, %arg0, %c0_i32_0 : i32, i32, i32
  }
  func.func @transform_7(%arg0: i32) -> (i32, i32) {
    %c0_i32 = arith.constant 0 : i32
    %c0_i32_0 = arith.constant 0 : i32
    return %arg0, %c0_i32 : i32, i32
  }
}

</mosaic_0001>

<sc_bundles>
// kernel: kernel.5.cloned.1.call-start
scs
__scs_entry_jumppad:
0x0: {  	(pc) =	sbr.rel $0x88, $3  }
0x1: {  	(tag) =	ssettag $0x0;
	lr =	simm.s32 $0x1  }
0x2: {  	[smem:$0x3FA0] =	sst lr;
	_ =	strace $0xD0000000  }
0x3: {  	_ = 	snop  }
0x4: {  	_ = 	snop  }
0x5: {  	_ = 	snop  }
0x6: {  	_ = 	snop  }
0x7: {  	_ = 	snop  }
__scs_overlays_trampoline_lowered:
0x8: {  	[smem:$0x3FAF] =	sst s0  }
0x9: {  	[smem:$0x3FB0] =	sst s1  }
0xa: {  	[smem:$0x3FB1] =	sst s2  }
0xb: {  	[smem:$0x3FB2] =	sst s3  }
0xc: {  	[smem:$0x3FB3] =	sst s4  }
0xd: {  	[smem:$0x3FB4] =	sst s5  }
0xe: {  	[smem:$0x3FB5] =	sst s6  }
0xf: {  	[smem:$0x3FB6] =	sst s7  }
0x10: {  	[smem:$0x3FB7] =	sst s8  }
0x11: {  	[smem:$0x3FB8] =	sst s9;
	s0 =	simm.s32 @!p0 $0x0  }
0x12: {  	s1 =	sld [smem:$0x3F9E];
	s0 =	simm.s32 @p0 $0x1  }
0x13: {  	[smem:$0x3FB9] =	sst s0;
	s0 =	simm.s32 @!p1 $0x0  }
0x14: {  	s2 =	sld [smem:$0x3F9D];
	s0 =	simm.s32 @p1 $0x1  }
0x15: {  	[smem:$0x3FBA] =	sst s0;
	s0 =	simm.s32 @!p2 $0x0  }
0x16: {  	s3 =	sld [smem:$0x3FDB];
	s0 =	simm.s32 @p2 $0x1  }
0x17: {  	s4 =	simm.s32 $0x1BF5;
	[smem:$0x3FBC] =	sst s0  }
0x18: {  	s0 =	sld [smem:$0x3F9F];
	_ =	swait.ge [sflag:s4], $0x0  }
0x19: {  	s7 =	sld [smem:$0x3FA0]  }
0x1a: {  	s8 =	sadd.s32 $0xFFFFE003, lr  }
0x1b: {  	s9 =	sadd.s32 $0xFFFFFEF7, lr;
	s5 =	simm.s32 $0xFFFFFFFF;
	p2 =	slt.u32 s8, $0xFFFFF086  }
0x1c: {  	p1 =	slt.u32 s9, $0xF7A;
	s5 =	simm.s32 @!p2 $0x0  }
0x1d: {  	s5 =	simm.s32 @p1 $0x1;
	p0 =	seq.s32 s7, s2  }
0x1e: {  	s7 =	smul.u32 @!p0 $0xF7A, s2;
	p2 =	seq.s32 @!p0 s5, $0x0  }
0x1f: {  	s9 =	smul.u32 $0xF7A, s1;
	s8 =	simm.s32 @!p0 $0x1BF5;
	p2 =	por !p2, p0  }
0x20: {  	[sflag:s8] =	ssyncset.s32 @!p0 $0xFFFFF086;
	s6 =	sadd.s32 @!p0 s3, s7;
	s7 =	simm.s32 @!p0 $0x108  }
0x21: {  	s3 =	sadd.s32 s3, s9;
	s6 =	sadd.s32 @!p0 $0x88, s6;
	s7 =	simm.s32 @p2 $0x1082  }
0x22: {  	[simem:s7], [sflag:s8] =	dma.local @!p0 [hbm:s6], $0xF7A  }
0x23: {  	s9 =	sor.u32 $0xD0000000, s2;
	s6 =	simm.s32 $0x108;
	_ =	swait.ge @!p0 [sflag:s8], $0x0  }
0x24: {  	s3 =	sadd.s32 $0x88, s3;
	s6 =	simm.s32 @!p1 $0x1082;
	[sflag:s4] =	ssyncset.s32 $0xFFFFF086  }
0x25: {  	[simem:s6], [sflag:s4] =	dma.local [hbm:s3], $0xF7A  }
0x26: {  	[smem:$0x3FA0] =	sst s1;
	(tag) =	ssettag s2;
	_ =	strace s9  }
0x27: {  	s1 =	sld [smem:$0x3FB0]  }
0x28: {  	s2 =	sld [smem:$0x3FB1]  }
0x29: {  	s4 =	sld [smem:$0x3FB3]  }
0x2a: {  	p0 =	seq.s32 s5, $0x0;
	s5 =	sld [smem:$0x3FB4]  }
0x2b: {  	s6 =	sld [smem:$0x3FB5]  }
0x2c: {  	s7 =	sld [smem:$0x3FB6]  }
0x2d: {  	s3 =	simm.s32 $0x108;
	s8 =	sld [smem:$0x3FB7]  }
0x2e: {  	s3 =	simm.s32 @!p0 $0x1082;
	s9 =	sld [smem:$0x3FB8]  }
0x2f: {  	lr =	sadd.s32 s0, s3;
	s0 =	sld [smem:$0x3FAF]  }
0x30: {  	s3 =	sld [smem:$0x3FB2]  }
0x31: {  	[smem:$0x3FBB] =	sst s10  }
0x32: {  	s10 =	sld [smem:$0x3FB9];
	_ =	sdelay $0x3  }
0x33: {  	p0 =	seq.s32 s10, $0x1;
	s10 =	sld [smem:$0x3FBB];
	_ =	sdelay $0x3  }
0x34: {  	[smem:$0x3FBB] =	sst s10  }
0x35: {  	s10 =	sld [smem:$0x3FBA];
	_ =	sdelay $0x3  }
0x36: {  	p1 =	seq.s32 s10, $0x1;
	s10 =	sld [smem:$0x3FBB];
	_ =	sdelay $0x3  }
0x37: {  	[smem:$0x3FBB] =	sst s10  }
0x38: {  	s10 =	sld [smem:$0x3FBC]  }
0x39: {  	_ = 	snop;
	(pc) =	sbr.ind lr, $3  }
0x3a: {  	_ = 	snop  }
0x3b: {  	_ = 	snop  }
0x3c: {  	p2 =	seq.s32 s10, $0x1;
	s10 =	sld [smem:$0x3FBB]  }
0x3d: {  	_ =	shalt  }
0x3e: {  	_ =	shalt  }
0x3f: {  	_ =	shalt  }
0x40: {  	_ =	shalt  }
0x41: {  	_ =	shalt  }
0x42: {  	_ =	shalt  }
0x43: {  	_ =	shalt  }
0x44: {  	_ =	shalt  }
0x45: {  	_ =	shalt  }
0x46: {  	_ =	shalt  }
0x47: {  	_ =	shalt  }
0x48: {  	_ =	shalt  }
0x49: {  	_ =	shalt  }
0x4a: {  	_ =	shalt  }
0x4b: {  	_ =	shalt  }
0x4c: {  	_ =	shalt  }
0x4d: {  	_ =	shalt  }
0x4e: {  	_ =	shalt  }
0x4f: {  	_ =	shalt  }
0x50: {  	_ =	shalt  }
0x51: {  	_ =	shalt  }
0x52: {  	_ =	shalt  }
0x53: {  	_ =	shalt  }
0x54: {  	_ =	shalt  }
0x55: {  	_ =	shalt  }
0x56: {  	_ =	shalt  }
0x57: {  	_ =	shalt  }
0x58: {  	_ =	shalt  }
0x59: {  	_ =	shalt  }
0x5a: {  	_ =	shalt  }
0x5b: {  	_ =	shalt  }
0x5c: {  	_ =	shalt  }
0x5d: {  	_ =	shalt  }
0x5e: {  	_ =	shalt  }
0x5f: {  	_ =	shalt  }
0x60: {  	_ =	shalt  }
0x61: {  	_ =	shalt  }
0x62: {  	_ =	shalt  }
0x63: {  	_ =	shalt  }
0x64: {  	_ =	shalt  }
0x65: {  	_ =	shalt  }
0x66: {  	_ =	shalt  }
0x67: {  	_ =	shalt  }
0x68: {  	_ =	shalt  }
0x69: {  	_ =	shalt  }
0x6a: {  	_ =	shalt  }
0x6b: {  	_ =	shalt  }
0x6c: {  	_ =	shalt  }
0x6d: {  	_ =	shalt  }
0x6e: {  	_ =	shalt  }
0x6f: {  	_ =	shalt  }
0x70: {  	_ =	shalt  }
0x71: {  	_ =	shalt  }
0x72: {  	_ =	shalt  }
0x73: {  	_ =	shalt  }
0x74: {  	_ =	shalt  }
0x75: {  	_ =	shalt  }
0x76: {  	_ =	shalt  }
0x77: {  	_ =	shalt  }
0x78: {  	_ =	shalt  }
0x79: {  	_ =	shalt  }
0x7a: {  	_ =	shalt  }
0x7b: {  	_ =	shalt  }
0x7c: {  	_ =	shalt  }
0x7d: {  	_ =	shalt  }
0x7e: {  	_ =	shalt  }
0x7f: {  	_ =	shalt  }
0x80: {  	_ =	shalt  }
0x81: {  	_ =	shalt  }
0x82: {  	_ =	shalt  }
0x83: {  	_ =	shalt  }
0x84: {  	_ =	shalt  }
0x85: {  	_ =	shalt  }
0x86: {  	_ =	shalt  }
0x87: {  	_ =	shalt  }
.Lfunc_end0:
.L_simem_size_0:
called_computation_lowered:
.L_overlay_start_0:
0x88: {  	s2 =	sld [smem:$0x3FD9]  }
0x89: {  	s3 =	sld [smem:$0x3FFE];
	_ =	sdelay $0x1  }
0x8a: {  	s1 =	srdreg.scid  }
0x8b: {  	s0 =	sand.u32 $0x1, s1  }
0x8c: {  	s14 =	sshll.u32 s0, $0xA;
	s2 =	sadd.s32 s3, s2  }
0x8d: {  	s2 =	sadd.s32 s2, s14  }
0x8e: {  	[smem:$0x3FC7] =	sst s2  }
0x8f: {  	_ = 	snop  }
0x90: {  	s2 =	sld [smem:$0x3FD0];
	_ =	sdelay $0x2  }
0x91: {  	s15 =	simm.s32 $0xA;
	s4 =	simm.s32 $0x10  }
0x92: {  	[smem:s4], [sflag:s15] =	dma.local [hbm:s2], $0x1  }
0x93: {  	_ =	swait.eq [sflag:s15], $0x1  }
0x94: {  	s16 =	sld [smem:$0x10];
	[sflag:s15] =	ssyncset.done $0x0  }
0x95: {  	s17 =	sld [smem:$0x12];
	[sflag:s15] =	ssyncadd.s32 $0xFFFFFFFF  }
0x96: {  	s18 =	sld [smem:$0x13];
	(tm) =	ssettm $0x1  }
0x97: {  	s5 =	sld [smem:$0x3FFB];
	_ =	sdelay $0x3  }
0x98: {  	_ =	strace s5  }
0x99: {  	s5 =	sld [smem:$0x3FFC];
	_ =	sdelay $0x3  }
0x9a: {  	_ =	strace s5  }
0x9b: {  	s5 =	sld [smem:$0x3FFD];
	_ =	sdelay $0x3  }
0x9c: {  	_ =	strace s5  }
0x9d: {  	_ =	strace $0x8FFFFFFF  }
0x9e: {  	s19 =	sld [smem:$0x3FDB];
	_ =	sdelay $0x1  }
0x9f: {  	s6 =	simm.s32 $_scs_section_size  }
0xa0: {  	s7 =	simm.s32 $_size__tile_overlayer_lowered;
	s8 =	simm.s32 $_tile_overlayer_lowered  }
0xa1: {  	s22 =	simm.s32 $0x1BFF;
	s21 =	sshll.u32 s8, $0x1;
	s5 =	sadd.s32 s6, s19  }
0xa2: {  	s9 =	simm.s32 $0x0;
	s20 =	sshll.u32 s7, $0x1;
	s7 =	sadd.s32 s21, s5  }
0xa3: {  	[timem:s9], [sflag:s22] =	dma.local [hbm:s7], s20  }
0xa4: {  	_ =	swait.ge [sflag:s22], s20  }
0xa5: {  	s6 =	ssub.s32 $0x0, s20;
	[sflag:s22] =	ssyncset.done $0x0  }
0xa6: {  	[sflag:s22] =	ssyncadd.s32 s6;
	_ =	sdelay $0x1  }
0xa7: {  	s23 =	simm.s32 $0x1B8B  }
0xa8: {  	_ =	swait.ge [sflag:s23], $0x1  }
0xa9: {  	[sflag:s23] =	ssyncset.done $0x0  }
0xaa: {  	s25 =	simm.s32 $0x1B8E;
	s24 =	sld [smem:$0x3FFE];
	[sflag:s23] =	ssyncadd.s32 $0xFFFFFFFF  }
0xab: {  	s26 =	simm.s32 $execute0_lowered;
	[smem:$0x3FD2] =	sst s25  }
0xac: {  	s7 =	sshll.u32 s26, $0x1;
	_ =	strace $0x80000046;
	[dreg:$0x1] =	wrdreg $0xFFFFFFFF  }
0xad: {  	s28 =	simm.s32 $_size_execute0_lowered;
	s5 =	sadd.s32 s5, s7;
	[dreg:$0x0] =	wrdreg $0x0  }
0xae: {  	s7 =	sshll.u32 s28, $0x1;
	[dreg:$0x2] =	wrdreg s5  }
0xaf: {  	[dreg:$0x3] =	wrdreg s7  }
0xb0: {  	[dreg:$0x4] =	wrdreg $0xC0  }
0xb1: {  	_ =	task [dreg:s9], $0x5FFFF  }
0xb2: {  	[dreg:$0x1] =	wrdreg $0xFFFFFFFF  }
0xb3: {  	[dreg:$0x0] =	wrdreg $0x60  }
0xb4: {  	[dreg:$0x2] =	wrdreg s24  }
0xb5: {  	[dreg:$0x3] =	wrdreg s17  }
0xb6: {  	[dreg:$0x4] =	wrdreg s16  }
0xb7: {  	[dreg:$0x5] =	wrdreg s18  }
0xb8: {  	[dreg:$0x6] =	wrdreg $0x9  }
0xb9: {  	_ =	task.clear_ibuf [dreg:s9], $0x7FFFF;
	_ =	strace $0x90000046  }
0xba: {  	s29 =	simm.s32 $0x9;
	_ =	strace $0x80000048  }
0xbb: {  	_ =	swait.ge [sflag:s29], $0x1  }
0xbc: {  	[sflag:s29] =	ssyncadd.s32 $0xFFFFFFFF  }
0xbd: {  	_ =	strace $0x90000048  }
0xbe: {  	_ =	sfence  }
0xbf: {  	s30 =	sld [smem:$0x0];
	_ =	sdelay $0x2  }
0xc0: {  	s31 =	sshll.u32 s1, $0xD;
	s1 =	sshrl.u32 s1, $0x2  }
0xc1: {  	s3 =	sand.u32 $0x4000, s31;
	s1 =	sadd.s32 s1, s30  }
0xc2: {  	s0 =	sor.u32 s3, s0;
	s1 =	sshll.u32 s1, $0x11  }
0xc3: {  	s0 =	sor.u32 s1, s0  }
0xc4: {  	s0 =	sadd.s32 $0x8F2B, s0  }
0xc5: {  	[sflag:s0] =	ssyncadd.remote.s32 $0x1  }
0xc6: {  	_ =	sfence.sel $0xFFFF  }
0xc7: {  	[dreg:$0x0] =	wrdreg $0xFFFFFFFF;
	(pc) =	sbr.abs _section_cstart, $3  }
0xc8: {  	[dreg:$0x1] =	wrdreg $0xFFFFFFFF  }
0xc9: {  	_ =	task.clear_ibuf [dreg:s9], $0x2FFFF;
	_ =	strace $0x9FFFFFFF  }
0xca: {  	(tm) =	ssettm $0x7FFFFFFF  }
0xcb: {  	_ =	shalt  }
tec
execute0_lowered:
.L_overlay_start_1:
0x0: {  	(tag) =	ssettag $0x1  }
0x1: {  	s6 =	rddreg [dreg:$0x0]  }
0x2: {  	s7 =	rddreg [dreg:$0x1]  }
0x3: {  	s8 =	rddreg [dreg:$0x2]  }
0x4: {  	s9 =	rddreg [dreg:$0x3]  }
0x5: {  	s0 =	rddreg [dreg:$0x4];
	s1 =	simm.s32 $0x0;
	s5 =	srdreg.scid  }
0x6: {  	s2 =	stileid.u32;
	s14 =	simm.s32 $0x6000;
	s15 =	simm.s32 $0x8000  }
0x7: {  	s16 =	simm.s32 $0xA000;
	s17 =	simm.s32 $0xC000;
	s18 =	simm.s32 $0x0  }
0x8: {  	[smem:$0x7FF] =	sst s1;
	s3 =	sadd.s32 $0xE00, s6;
	s5 =	sand.u32 $0x1, s5  }
0x9: {  	s4 =	sadd.s32 $0xA00, s6;
	s10 =	sshll.u32 s2, $0xB;
	s11 =	sshll.u32 s5, $0xA  }
0xa: {  	_ =	strace $0x80000047;
	s12 =	ssub.s32 $0x2, s5;
	s10 =	sor.u32 s11, s10  }
0xb: {  	s5 =	sadd.s32 $0x600, s6;
	s31 =	sshrl.u32 s12, $0x1;
	s13 =	sadd.s32 s10, s6  }
0xc: {  	s11 =	ssub.s32 s12, s31;
	s6 =	sadd.s32 s7, s10;
	s7 =	sadd.s32 s8, s10  }
0xd: {  	s8 =	sadd.s32 s9, s10;
	s12 =	simm.s32 $0x2000;
	s9 =	sadd.s32 $0x1200, s13  }
0xe: {  	s10 =	smax.u32 s11, $0x1;
	s11 =	simm.s32 $0x1;
	s13 =	simm.s32 $0x4000  }
.LBB2_1:
0xf: {  	[tilespmem:s1], [sflag:$0x1] =	stream.linear.gather [hbm4b:s3+s1], $0x2000, $0x38;
	[tilespmem:$0xE000] =	vst v63  }
0x10: {  	_ =	swait.ge [sflag:s11], $0x2000  }
0x11: {  	[sflag:s11] =	ssyncset.done $0x0  }
0x12: {  	[sflag:s11] =	ssyncadd.s32 $0xFFFFE000  }
0x13: {  	[tilespmem:s12], [sflag:$0x1] =	stream.linear.gather [hbm4b:s4+s1], $0x2000, $0x38;
	[tilespmem:$0xE000] =	vst v63  }
0x14: {  	_ =	swait.ge [sflag:s11], $0x2000  }
0x15: {  	[sflag:s11] =	ssyncset.done $0x0  }
0x16: {  	[sflag:s11] =	ssyncadd.s32 $0xFFFFE000  }
0x17: {  	[tilespmem:s13], [sflag:$0x1] =	stream.linear.gather [hbm4b:s5+s1], $0x2000, $0x38;
	[tilespmem:$0xE000] =	vst v63  }
0x18: {  	_ =	swait.ge [sflag:s11], $0x2000  }
0x19: {  	[sflag:s11] =	ssyncset.done $0x0  }
0x1a: {  	[sflag:s11] =	ssyncadd.s32 $0xFFFFE000  }
0x1b: {  	[tilespmem:s14], [sflag:$0x1] =	stream.linear.gather [hbm4b:s6+s1], $0x2000, $0x38;
	[tilespmem:$0xE000] =	vst v63  }
0x1c: {  	_ =	swait.ge [sflag:s11], $0x2000  }
0x1d: {  	[sflag:s11] =	ssyncset.done $0x0  }
0x1e: {  	s19 =	simm.s32 $0x0;
	[sflag:s11] =	ssyncadd.s32 $0xFFFFE000  }
0x1f: {  	v0 =	vld [tilespmem:s19+$0x6000];
	_ =	sdelay $0x7  }
0x20: {  	v1 =	vld.idx.msk [tilespmem:v0+s1+$0x0], $0xffff;
	_ =	sdelay $0x4  }
0x21: {  	[tilespmem:s19+$0x8000] =	vst v1  }
0x22: {  	v1 =	vld.idx.msk [tilespmem:v0+s12+$0x0], $0xffff;
	_ =	sdelay $0x3  }
0x23: {  	s21 =	simm.s32 $0x10;
	s20 =	simm.s32 $0x80  }
.LBB2_2:
0x24: {  	p0 =	sne.s32 s20, $0x7FC0;
	v2 =	vld [tilespmem:s21+$0x6000];
	[tilespmem:s19+$0xA000] =	vst v1  }
0x25: {  	v1 =	vld.idx.msk [tilespmem:v0+s13+$0x0], $0xffff;
	_ =	sdelay $0x3  }
0x26: {  	v0 =	vmov v2;
	_ =	sdelay $0x1  }
0x27: {  	[tilespmem:s19+$0xC000] =	vst v1;
	s19 =	smov.u32 s21  }
0x28: {  	v1 =	vld.idx.msk [tilespmem:v2+s1+$0x0], $0xffff;
	_ =	sdelay $0x5  }
0x29: {  	[tilespmem:s19+$0x8000] =	vst v1  }
0x2a: {  	v1 =	vld.idx.msk [tilespmem:v2+s12+$0x0], $0xffff  }
.Ltmp0:
0x2b: {  	(pc) =	sbr.rel @p0 .LBB2_2-.Ltmp0, $2  }
0x2c: {  	_ =	sdelay $0x2  }
0x2d: {  	s21 =	sshra.s32 s20, $0x2;
	s20 =	sadd.s32 $0x40, s20  }
0x2e: {  	_ =	sdelay $0x1  }
0x2f: {  	v2 =	vld [tilespmem:s21+$0x6000]  }
0x30: {  	[tilespmem:s19+$0xA000] =	vst v1  }
0x31: {  	v0 =	vld.idx.msk [tilespmem:v0+s13+$0x0], $0xffff;
	_ =	sdelay $0x4  }
0x32: {  	[tilespmem:s19+$0xC000] =	vst v0  }
0x33: {  	v0 =	vld.idx.msk [tilespmem:v2+s1+$0x0], $0xffff;
	_ =	sdelay $0x4  }
0x34: {  	[tilespmem:s21+$0x8000] =	vst v0  }
0x35: {  	v0 =	vld.idx.msk [tilespmem:v2+s12+$0x0], $0xffff;
	_ =	sdelay $0x4  }
0x36: {  	[tilespmem:s21+$0xA000] =	vst v0  }
0x37: {  	v0 =	vld.idx.msk [tilespmem:v2+s13+$0x0], $0xffff;
	_ =	sdelay $0x4  }
0x38: {  	[tilespmem:s21+$0xC000] =	vst v0  }
0x39: {  	[hbm4b:s7+s1] =	stream.linear.scatter [tilespmem:s15], [sflag:$0x1], $0x2000, $0x38;
	[tilespmem:$0xE000] =	vst v63  }
0x3a: {  	_ =	swait.ge [sflag:s11], $0x2000  }
0x3b: {  	[sflag:s11] =	ssyncset.done $0x0  }
0x3c: {  	[sflag:s11] =	ssyncadd.s32 $0xFFFFE000  }
0x3d: {  	[hbm4b:s8+s1] =	stream.linear.scatter [tilespmem:s16], [sflag:$0x1], $0x2000, $0x38;
	[tilespmem:$0xE000] =	vst v63  }
0x3e: {  	s18 =	sadd.s32 $0x1, s18;
	_ =	swait.ge [sflag:s11], $0x2000  }
0x3f: {  	p0 =	sne.s32 s18, s10;
	[sflag:s11] =	ssyncset.done $0x0  }
.Ltmp1:
0x40: {  	[sflag:s11] =	ssyncadd.s32 $0xFFFFE000;
	(pc) =	sbr.rel @p0 .LBB2_1-.Ltmp1, $4  }
0x41: {  	[hbm4b:s9+s1] =	stream.linear.scatter [tilespmem:s17], [sflag:$0x1], $0x2000, $0x38;
	[tilespmem:$0xE000] =	vst v63  }
0x42: {  	_ =	swait.ge [sflag:s11], $0x2000  }
0x43: {  	[sflag:s11] =	ssyncset.done $0x0  }
0x44: {  	[sflag:s11] =	ssyncadd.s32 $0xFFFFE000  }
0x45: {  	_ =	sfence.sel $0x180000  }
0x46: {  	[bflag:$0x0] =	sbarrier.arrive $0xFFFF  }
0x47: {  	p0 =	sne.s32 s2, $0x0;
	_ =	strace $0x90000047  }
0x48: {  	s0 =	sadd.s32 @!p0 $0x100000, s0;
	[bflag:$0x2] =	sbarrier.arrive $0xFFFF  }
0x49: {  	[sflag:s0] =	ssyncadd.tile.s32 @!p0 $0x1;
	_ =	shalt  }
.Lfunc_end2:
_tile_overlayer_lowered:
.L_overlay_start_2:
0x4a: {  	(tag) =	ssettag $0x2  }
0x4b: {  	s0 =	rddreg [dreg:$0x0];
	s2 =	stileid.u32  }
0x4c: {  	s1 =	rddreg [dreg:$0x1];
	p0 =	sne.s32 s2, $0x0  }
0x4d: {  	s3 =	rddreg [dreg:$0x2];
	[bflag:$0x3] =	sbarrier.arrive $0xFFFF;
	s2 =	simm.s32 @!p0 $0x1C01  }
0x4e: {  	[timem:s3], [sflag:s2] =	dma.local @!p0 [hbm:s0], s1  }
0x4f: {  	s0 =	simm.s32 @!p0 $0x1  }
0x50: {  	_ =	swait.ge @!p0 [sflag:s0], s1  }
0x51: {  	s1 =	ssub.s32 @!p0 $0x0, s1;
	[sflag:s0] =	ssyncset.done @!p0 $0x0  }
0x52: {  	[sflag:s0] =	ssyncadd.s32 @!p0 s1  }
0x53: {  	[bflag:$0x3] =	sbarrier.arrive $0xFFFF  }
0x54: {  	_ =	shalt  }

</sc_bundles>
